<compile_context>
chip_gen: v7x
topology: tpu7x:2x2x1
jax: 0.10.2.dev20260603
libtpu: 0.0.44.dev20260713+nightly
codegen_flags: <defaults>
</compile_context>

<pallas_src>
import functools

import jax
import jax.numpy as jnp
from jax import lax
from jax.experimental import pallas as pl
from jax.experimental.pallas import tpu as pltpu
from jax.experimental.pallas import tpu_sc as plsc

D = 64
B = 16384 * 50
NW = 32
BPW = B // NW
CHUNK = 128
NBUF = 8
NCHUNK = BPW // CHUNK
KSUB = CHUNK // 128
NGROUP = NCHUNK // NBUF
IDXROWS = BPW // 128

_mesh = plsc.VectorSubcoreMesh(core_axis_name="c", subcore_axis_name="s")


@functools.partial(
    pl.kernel,
    out_type=jax.ShapeDtypeStruct((B, D), jnp.float32),
    mesh=_mesh,
    scratch_types=(
        [pltpu.VMEM((IDXROWS, 128), jnp.int32)]
        + [pltpu.VMEM((CHUNK, D), jnp.float32) for _ in range(NBUF)]
        + [pltpu.SemaphoreType.DMA for _ in range(2 * NBUF)]
    ),
    compiler_params=pltpu.CompilerParams(use_tc_tiling_on_sc=False),
)
def _sc_gather(ids_hbm, table_hbm, out_hbm, idx_v, *scratch):
    bufs = scratch[:NBUF]
    gsems = scratch[NBUF:2 * NBUF]
    wsems = scratch[2 * NBUF:]

    wid = lax.axis_index("s") * 2 + lax.axis_index("c")
    out_base = wid * BPW

    pltpu.sync_copy(ids_hbm.at[pl.ds(wid * IDXROWS, IDXROWS)], idx_v)

    def fire_gathers(ci, rows_v, sem):
        return [
            pltpu.async_copy(
                table_hbm.at[idx_v.at[ci * KSUB + j]],
                rows_v.at[pl.ds(j * 128, 128)],
                sem,
            )
            for j in range(KSUB)
        ]

    def writeout(ci, rows_v, sem):
        return pltpu.make_async_copy(
            rows_v, out_hbm.at[pl.ds(out_base + ci * CHUNK, CHUNK)], sem)

    first = [fire_gathers(b, bufs[b], gsems[b]) for b in range(NBUF)]
    for b in range(NBUF):
        for cp in first[b]:
            cp.wait()
        writeout(b, bufs[b], wsems[b]).start()

    def step(g, _):
        c0 = g * NBUF
        gs = []
        for b in range(NBUF):
            writeout(c0 + b - NBUF, bufs[b], wsems[b]).wait()
            gs.append(fire_gathers(c0 + b, bufs[b], gsems[b]))
        for b in range(NBUF):
            for cp in gs[b]:
                cp.wait()
            writeout(c0 + b, bufs[b], wsems[b]).start()
        return 0

    lax.fori_loop(1, NGROUP, step, 0)

    for b in range(NBUF):
        writeout(NCHUNK - NBUF + b, bufs[b], wsems[b]).wait()


def kernel(token_ids, embd_mat):
    ids = token_ids.reshape(B // 128, 128)
    out = _sc_gather(ids, embd_mat)
    return out.reshape(token_ids.shape[0], token_ids.shape[1], D)

# --- scband reference (transcript-rebuilt; emitter-appended) ---
"""Pipeline reference for scband-embedding-82102594830933 (READ-ONLY COPY).

The authoritative reference and input builder live on the scoring server;
editing this copy changes nothing except your own understanding.
"""

import jax, jax.numpy as jnp
import numpy as np

NUM_EMBEDDINGS = 1000000
EMBEDDING_DIM = 64

def setup_inputs(seed: int = 0) -> dict:
    key = jax.random.key(seed)
    k1, k2 = jax.random.split(key)
    token_ids = jax.random.randint(k1, (16384, 50), 0, NUM_EMBEDDINGS, dtype=jnp.int64 if jax.config.jax_enable_x64 else jnp.int32)
    std = (1.0 / EMBEDDING_DIM) ** 0.5
    # truncated normal in [-3*std, 3*std], matching nn.init.trunc_normal_(mean=0, std=std, a=-3, b=3)
    embd_mat = jax.random.truncated_normal(k2, -3.0, 3.0, (NUM_EMBEDDINGS, EMBEDDING_DIM), dtype=jnp.float32) * std
    return {"token_ids": token_ids, "embd_mat": embd_mat}

def reference(token_ids, embd_mat):
    # Faithful translation of: self.embd_mat[token_ids]
    return jnp.take(embd_mat, token_ids, axis=0)

if __name__ == "__main__":
    import jax
    _d = setup_inputs()
    print(jax.jit(kernel)(*tuple(_d.values())))

</pallas_src>

<mosaic_0001>
#map = affine_map<(d0, d1) -> (0, 0)>
module attributes {stable_mosaic.version = 14 : i64} {
  func.func @_sc_gather(%arg0: i32, %arg1: i32, %arg2: memref<6400x128xi32, #tpu.memory_space<hbm>>, %arg3: memref<1000000x64xf32, #tpu.memory_space<hbm>>, %arg4: memref<819200x64xf32, #tpu.memory_space<hbm>>, %arg5: memref<200x128xi32, #tpu.memory_space<vmem>>, %arg6: memref<128x64xf32, #tpu.memory_space<vmem>>, %arg7: memref<128x64xf32, #tpu.memory_space<vmem>>, %arg8: memref<128x64xf32, #tpu.memory_space<vmem>>, %arg9: memref<128x64xf32, #tpu.memory_space<vmem>>, %arg10: memref<128x64xf32, #tpu.memory_space<vmem>>, %arg11: memref<128x64xf32, #tpu.memory_space<vmem>>, %arg12: memref<128x64xf32, #tpu.memory_space<vmem>>, %arg13: memref<128x64xf32, #tpu.memory_space<vmem>>, %arg14: memref<!tpu.dma_semaphore, #tpu.memory_space<semaphore_mem>>, %arg15: memref<!tpu.dma_semaphore, #tpu.memory_space<semaphore_mem>>, %arg16: memref<!tpu.dma_semaphore, #tpu.memory_space<semaphore_mem>>, %arg17: memref<!tpu.dma_semaphore, #tpu.memory_space<semaphore_mem>>, %arg18: memref<!tpu.dma_semaphore, #tpu.memory_space<semaphore_mem>>, %arg19: memref<!tpu.dma_semaphore, #tpu.memory_space<semaphore_mem>>, %arg20: memref<!tpu.dma_semaphore, #tpu.memory_space<semaphore_mem>>, %arg21: memref<!tpu.dma_semaphore, #tpu.memory_space<semaphore_mem>>, %arg22: memref<!tpu.dma_semaphore, #tpu.memory_space<semaphore_mem>>, %arg23: memref<!tpu.dma_semaphore, #tpu.memory_space<semaphore_mem>>, %arg24: memref<!tpu.dma_semaphore, #tpu.memory_space<semaphore_mem>>, %arg25: memref<!tpu.dma_semaphore, #tpu.memory_space<semaphore_mem>>, %arg26: memref<!tpu.dma_semaphore, #tpu.memory_space<semaphore_mem>>, %arg27: memref<!tpu.dma_semaphore, #tpu.memory_space<semaphore_mem>>, %arg28: memref<!tpu.dma_semaphore, #tpu.memory_space<semaphore_mem>>, %arg29: memref<!tpu.dma_semaphore, #tpu.memory_space<semaphore_mem>>) attributes {dimension_semantics = [#tpu.dimension_semantics<core_parallel>, #tpu.dimension_semantics<subcore_parallel>], iteration_bounds = array<i64: 2, 16>, scalar_prefetch = 0 : i64, scratch_operands = 25 : i64, tpu.core_type = #tpu.core_type<sc_vector_subcore>, window_params = [{transform_indices = #map}, {transform_indices = #map}, {transform_indices = #map}]} {
    %mul3A = arith.constant 2 : i32
    %mul3A_0 = arith.muli %arg1, %mul3A : i32
    %add3A = arith.addi %mul3A_0, %arg0 : i32
    %mul3A_1 = arith.constant 25600 : i32
    %mul3A_2 = arith.muli %add3A, %mul3A_1 : i32
    %mul3A_3 = arith.constant 200 : i32
    %mul3A_4 = arith.muli %add3A, %mul3A_3 : i32
    "tpu.region"() ({
      %run_scoped3A = tpu.sem_alloc : memref<!tpu.dma_semaphore, #tpu.memory_space<semaphore_mem>>
      %dma_start3A_265 = arith.constant 0 : i32
      %dma_start3A_266 = tpu.memref_slice %arg2[%mul3A_4, %dma_start3A_265] : memref<6400x128xi32, #tpu.memory_space<hbm>> -> memref<200x128xi32, #tpu.memory_space<hbm>>
      %dma_start3A_267 = arith.constant 0 : i32
      %dma_start3A_268 = tpu.memref_slice %arg2[%mul3A_4, %dma_start3A_267] : memref<6400x128xi32, #tpu.memory_space<hbm>> -> memref<200x128xi32, #tpu.memory_space<hbm>>
      tpu.enqueue_dma source(%dma_start3A_268 : memref<200x128xi32, #tpu.memory_space<hbm>>) target(%arg5 : memref<200x128xi32, #tpu.memory_space<vmem>>) target_semaphore(%run_scoped3A : memref<!tpu.dma_semaphore, #tpu.memory_space<semaphore_mem>>)
      %dma_wait3A_269 = arith.constant 0 : i32
      %dma_wait3A_270 = tpu.memref_slice %arg2[%mul3A_4, %dma_wait3A_269] : memref<6400x128xi32, #tpu.memory_space<hbm>> -> memref<200x128xi32, #tpu.memory_space<hbm>>
      %dma_wait3A_271 = arith.constant 0 : i32
      %dma_wait3A_272 = tpu.memref_slice %arg2[%mul3A_4, %dma_wait3A_271] : memref<6400x128xi32, #tpu.memory_space<hbm>> -> memref<200x128xi32, #tpu.memory_space<hbm>>
      tpu.wait_dma2 semaphore(%run_scoped3A : memref<!tpu.dma_semaphore, #tpu.memory_space<semaphore_mem>>) src(%dma_wait3A_272 : memref<200x128xi32, #tpu.memory_space<hbm>>) dst(%arg5 : memref<200x128xi32, #tpu.memory_space<vmem>>)
      tpu.yield
    }) : () -> ()
    %dma_start3A = arith.constant 0 : i32
    %dma_start3A_5 = arith.constant 0 : i32
    %dma_start3A_6 = arith.constant 0 : i32
    %dma_start3A_7 = tpu.memref_slice %arg6[%dma_start3A_5, %dma_start3A_6] : memref<128x64xf32, #tpu.memory_space<vmem>> -> memref<128x64xf32, #tpu.memory_space<vmem>>
    %dma_start3A_8 = arith.constant 0 : i32
    %dma_start3A_9 = tpu.memref_slice %arg5[%dma_start3A, %dma_start3A_8] : memref<200x128xi32, #tpu.memory_space<vmem>> -> memref<1x128xi32, #tpu.memory_space<vmem>>
    %dma_start3A_10 = tpu.memref_squeeze %dma_start3A_9 : memref<1x128xi32, #tpu.memory_space<vmem>> -> memref<128xi32, #tpu.memory_space<vmem>>
    %dma_start3A_11 = arith.constant 0 : i32
    %dma_start3A_12 = arith.constant 0 : i32
    %dma_start3A_13 = tpu.memref_slice %arg3[%dma_start3A_11, %dma_start3A_12] : memref<1000000x64xf32, #tpu.memory_space<hbm>> -> memref<1000000x64xf32, #tpu.memory_space<hbm>>
    tpu.enqueue_indirect_dma source(%dma_start3A_13 : memref<1000000x64xf32, #tpu.memory_space<hbm>>) target(%dma_start3A_7 : memref<128x64xf32, #tpu.memory_space<vmem>>) offsets(%dma_start3A_10 : memref<128xi32, #tpu.memory_space<vmem>>) semaphore(%arg14 : memref<!tpu.dma_semaphore, #tpu.memory_space<semaphore_mem>>)
    %dma_start3A_14 = arith.constant 1 : i32
    %dma_start3A_15 = arith.constant 0 : i32
    %dma_start3A_16 = arith.constant 0 : i32
    %dma_start3A_17 = tpu.memref_slice %arg7[%dma_start3A_15, %dma_start3A_16] : memref<128x64xf32, #tpu.memory_space<vmem>> -> memref<128x64xf32, #tpu.memory_space<vmem>>
    %dma_start3A_18 = arith.constant 0 : i32
    %dma_start3A_19 = tpu.memref_slice %arg5[%dma_start3A_14, %dma_start3A_18] : memref<200x128xi32, #tpu.memory_space<vmem>> -> memref<1x128xi32, #tpu.memory_space<vmem>>
    %dma_start3A_20 = tpu.memref_squeeze %dma_start3A_19 : memref<1x128xi32, #tpu.memory_space<vmem>> -> memref<128xi32, #tpu.memory_space<vmem>>
    %dma_start3A_21 = arith.constant 0 : i32
    %dma_start3A_22 = arith.constant 0 : i32
    %dma_start3A_23 = tpu.memref_slice %arg3[%dma_start3A_21, %dma_start3A_22] : memref<1000000x64xf32, #tpu.memory_space<hbm>> -> memref<1000000x64xf32, #tpu.memory_space<hbm>>
    tpu.enqueue_indirect_dma source(%dma_start3A_23 : memref<1000000x64xf32, #tpu.memory_space<hbm>>) target(%dma_start3A_17 : memref<128x64xf32, #tpu.memory_space<vmem>>) offsets(%dma_start3A_20 : memref<128xi32, #tpu.memory_space<vmem>>) semaphore(%arg15 : memref<!tpu.dma_semaphore, #tpu.memory_space<semaphore_mem>>)
    %dma_start3A_24 = arith.constant 2 : i32
    %dma_start3A_25 = arith.constant 0 : i32
    %dma_start3A_26 = arith.constant 0 : i32
    %dma_start3A_27 = tpu.memref_slice %arg8[%dma_start3A_25, %dma_start3A_26] : memref<128x64xf32, #tpu.memory_space<vmem>> -> memref<128x64xf32, #tpu.memory_space<vmem>>
    %dma_start3A_28 = arith.constant 0 : i32
    %dma_start3A_29 = tpu.memref_slice %arg5[%dma_start3A_24, %dma_start3A_28] : memref<200x128xi32, #tpu.memory_space<vmem>> -> memref<1x128xi32, #tpu.memory_space<vmem>>
    %dma_start3A_30 = tpu.memref_squeeze %dma_start3A_29 : memref<1x128xi32, #tpu.memory_space<vmem>> -> memref<128xi32, #tpu.memory_space<vmem>>
    %dma_start3A_31 = arith.constant 0 : i32
    %dma_start3A_32 = arith.constant 0 : i32
    %dma_start3A_33 = tpu.memref_slice %arg3[%dma_start3A_31, %dma_start3A_32] : memref<1000000x64xf32, #tpu.memory_space<hbm>> -> memref<1000000x64xf32, #tpu.memory_space<hbm>>
    tpu.enqueue_indirect_dma source(%dma_start3A_33 : memref<1000000x64xf32, #tpu.memory_space<hbm>>) target(%dma_start3A_27 : memref<128x64xf32, #tpu.memory_space<vmem>>) offsets(%dma_start3A_30 : memref<128xi32, #tpu.memory_space<vmem>>) semaphore(%arg16 : memref<!tpu.dma_semaphore, #tpu.memory_space<semaphore_mem>>)
    %dma_start3A_34 = arith.constant 3 : i32
    %dma_start3A_35 = arith.constant 0 : i32
    %dma_start3A_36 = arith.constant 0 : i32
    %dma_start3A_37 = tpu.memref_slice %arg9[%dma_start3A_35, %dma_start3A_36] : memref<128x64xf32, #tpu.memory_space<vmem>> -> memref<128x64xf32, #tpu.memory_space<vmem>>
    %dma_start3A_38 = arith.constant 0 : i32
    %dma_start3A_39 = tpu.memref_slice %arg5[%dma_start3A_34, %dma_start3A_38] : memref<200x128xi32, #tpu.memory_space<vmem>> -> memref<1x128xi32, #tpu.memory_space<vmem>>
    %dma_start3A_40 = tpu.memref_squeeze %dma_start3A_39 : memref<1x128xi32, #tpu.memory_space<vmem>> -> memref<128xi32, #tpu.memory_space<vmem>>
    %dma_start3A_41 = arith.constant 0 : i32
    %dma_start3A_42 = arith.constant 0 : i32
    %dma_start3A_43 = tpu.memref_slice %arg3[%dma_start3A_41, %dma_start3A_42] : memref<1000000x64xf32, #tpu.memory_space<hbm>> -> memref<1000000x64xf32, #tpu.memory_space<hbm>>
    tpu.enqueue_indirect_dma source(%dma_start3A_43 : memref<1000000x64xf32, #tpu.memory_space<hbm>>) target(%dma_start3A_37 : memref<128x64xf32, #tpu.memory_space<vmem>>) offsets(%dma_start3A_40 : memref<128xi32, #tpu.memory_space<vmem>>) semaphore(%arg17 : memref<!tpu.dma_semaphore, #tpu.memory_space<semaphore_mem>>)
    %dma_start3A_44 = arith.constant 4 : i32
    %dma_start3A_45 = arith.constant 0 : i32
    %dma_start3A_46 = arith.constant 0 : i32
    %dma_start3A_47 = tpu.memref_slice %arg10[%dma_start3A_45, %dma_start3A_46] : memref<128x64xf32, #tpu.memory_space<vmem>> -> memref<128x64xf32, #tpu.memory_space<vmem>>
    %dma_start3A_48 = arith.constant 0 : i32
    %dma_start3A_49 = tpu.memref_slice %arg5[%dma_start3A_44, %dma_start3A_48] : memref<200x128xi32, #tpu.memory_space<vmem>> -> memref<1x128xi32, #tpu.memory_space<vmem>>
    %dma_start3A_50 = tpu.memref_squeeze %dma_start3A_49 : memref<1x128xi32, #tpu.memory_space<vmem>> -> memref<128xi32, #tpu.memory_space<vmem>>
    %dma_start3A_51 = arith.constant 0 : i32
    %dma_start3A_52 = arith.constant 0 : i32
    %dma_start3A_53 = tpu.memref_slice %arg3[%dma_start3A_51, %dma_start3A_52] : memref<1000000x64xf32, #tpu.memory_space<hbm>> -> memref<1000000x64xf32, #tpu.memory_space<hbm>>
    tpu.enqueue_indirect_dma source(%dma_start3A_53 : memref<1000000x64xf32, #tpu.memory_space<hbm>>) target(%dma_start3A_47 : memref<128x64xf32, #tpu.memory_space<vmem>>) offsets(%dma_start3A_50 : memref<128xi32, #tpu.memory_space<vmem>>) semaphore(%arg18 : memref<!tpu.dma_semaphore, #tpu.memory_space<semaphore_mem>>)
    %dma_start3A_54 = arith.constant 5 : i32
    %dma_start3A_55 = arith.constant 0 : i32
    %dma_start3A_56 = arith.constant 0 : i32
    %dma_start3A_57 = tpu.memref_slice %arg11[%dma_start3A_55, %dma_start3A_56] : memref<128x64xf32, #tpu.memory_space<vmem>> -> memref<128x64xf32, #tpu.memory_space<vmem>>
    %dma_start3A_58 = arith.constant 0 : i32
    %dma_start3A_59 = tpu.memref_slice %arg5[%dma_start3A_54, %dma_start3A_58] : memref<200x128xi32, #tpu.memory_space<vmem>> -> memref<1x128xi32, #tpu.memory_space<vmem>>
    %dma_start3A_60 = tpu.memref_squeeze %dma_start3A_59 : memref<1x128xi32, #tpu.memory_space<vmem>> -> memref<128xi32, #tpu.memory_space<vmem>>
    %dma_start3A_61 = arith.constant 0 : i32
    %dma_start3A_62 = arith.constant 0 : i32
    %dma_start3A_63 = tpu.memref_slice %arg3[%dma_start3A_61, %dma_start3A_62] : memref<1000000x64xf32, #tpu.memory_space<hbm>> -> memref<1000000x64xf32, #tpu.memory_space<hbm>>
    tpu.enqueue_indirect_dma source(%dma_start3A_63 : memref<1000000x64xf32, #tpu.memory_space<hbm>>) target(%dma_start3A_57 : memref<128x64xf32, #tpu.memory_space<vmem>>) offsets(%dma_start3A_60 : memref<128xi32, #tpu.memory_space<vmem>>) semaphore(%arg19 : memref<!tpu.dma_semaphore, #tpu.memory_space<semaphore_mem>>)
    %dma_start3A_64 = arith.constant 6 : i32
    %dma_start3A_65 = arith.constant 0 : i32
    %dma_start3A_66 = arith.constant 0 : i32
    %dma_start3A_67 = tpu.memref_slice %arg12[%dma_start3A_65, %dma_start3A_66] : memref<128x64xf32, #tpu.memory_space<vmem>> -> memref<128x64xf32, #tpu.memory_space<vmem>>
    %dma_start3A_68 = arith.constant 0 : i32
    %dma_start3A_69 = tpu.memref_slice %arg5[%dma_start3A_64, %dma_start3A_68] : memref<200x128xi32, #tpu.memory_space<vmem>> -> memref<1x128xi32, #tpu.memory_space<vmem>>
    %dma_start3A_70 = tpu.memref_squeeze %dma_start3A_69 : memref<1x128xi32, #tpu.memory_space<vmem>> -> memref<128xi32, #tpu.memory_space<vmem>>
    %dma_start3A_71 = arith.constant 0 : i32
    %dma_start3A_72 = arith.constant 0 : i32
    %dma_start3A_73 = tpu.memref_slice %arg3[%dma_start3A_71, %dma_start3A_72] : memref<1000000x64xf32, #tpu.memory_space<hbm>> -> memref<1000000x64xf32, #tpu.memory_space<hbm>>
    tpu.enqueue_indirect_dma source(%dma_start3A_73 : memref<1000000x64xf32, #tpu.memory_space<hbm>>) target(%dma_start3A_67 : memref<128x64xf32, #tpu.memory_space<vmem>>) offsets(%dma_start3A_70 : memref<128xi32, #tpu.memory_space<vmem>>) semaphore(%arg20 : memref<!tpu.dma_semaphore, #tpu.memory_space<semaphore_mem>>)
    %dma_start3A_74 = arith.constant 7 : i32
    %dma_start3A_75 = arith.constant 0 : i32
    %dma_start3A_76 = arith.constant 0 : i32
    %dma_start3A_77 = tpu.memref_slice %arg13[%dma_start3A_75, %dma_start3A_76] : memref<128x64xf32, #tpu.memory_space<vmem>> -> memref<128x64xf32, #tpu.memory_space<vmem>>
    %dma_start3A_78 = arith.constant 0 : i32
    %dma_start3A_79 = tpu.memref_slice %arg5[%dma_start3A_74, %dma_start3A_78] : memref<200x128xi32, #tpu.memory_space<vmem>> -> memref<1x128xi32, #tpu.memory_space<vmem>>
    %dma_start3A_80 = tpu.memref_squeeze %dma_start3A_79 : memref<1x128xi32, #tpu.memory_space<vmem>> -> memref<128xi32, #tpu.memory_space<vmem>>
    %dma_start3A_81 = arith.constant 0 : i32
    %dma_start3A_82 = arith.constant 0 : i32
    %dma_start3A_83 = tpu.memref_slice %arg3[%dma_start3A_81, %dma_start3A_82] : memref<1000000x64xf32, #tpu.memory_space<hbm>> -> memref<1000000x64xf32, #tpu.memory_space<hbm>>
    tpu.enqueue_indirect_dma source(%dma_start3A_83 : memref<1000000x64xf32, #tpu.memory_space<hbm>>) target(%dma_start3A_77 : memref<128x64xf32, #tpu.memory_space<vmem>>) offsets(%dma_start3A_80 : memref<128xi32, #tpu.memory_space<vmem>>) semaphore(%arg21 : memref<!tpu.dma_semaphore, #tpu.memory_space<semaphore_mem>>)
    %dma_wait3A = arith.constant 0 : i32
    %dma_wait3A_84 = arith.constant 0 : i32
    %dma_wait3A_85 = arith.constant 0 : i32
    %dma_wait3A_86 = tpu.memref_slice %arg6[%dma_wait3A_84, %dma_wait3A_85] : memref<128x64xf32, #tpu.memory_space<vmem>> -> memref<128x64xf32, #tpu.memory_space<vmem>>
    %dma_wait3A_87 = arith.constant 0 : i32
    %dma_wait3A_88 = tpu.memref_slice %arg5[%dma_wait3A, %dma_wait3A_87] : memref<200x128xi32, #tpu.memory_space<vmem>> -> memref<1x128xi32, #tpu.memory_space<vmem>>
    %dma_wait3A_89 = tpu.memref_squeeze %dma_wait3A_88 : memref<1x128xi32, #tpu.memory_space<vmem>> -> memref<128xi32, #tpu.memory_space<vmem>>
    %dma_wait3A_90 = arith.constant 0 : i32
    %dma_wait3A_91 = arith.constant 0 : i32
    %dma_wait3A_92 = tpu.memref_slice %arg3[%dma_wait3A_90, %dma_wait3A_91] : memref<1000000x64xf32, #tpu.memory_space<hbm>> -> memref<1000000x64xf32, #tpu.memory_space<hbm>>
    tpu.wait_indirect_dma semaphore(%arg14 : memref<!tpu.dma_semaphore, #tpu.memory_space<semaphore_mem>>) src(%dma_wait3A_92 : memref<1000000x64xf32, #tpu.memory_space<hbm>>) dst(%dma_wait3A_86 : memref<128x64xf32, #tpu.memory_space<vmem>>)
    %add3A_93 = arith.constant 0 : i32
    %add3A_94 = arith.addi %mul3A_2, %add3A_93 : i32
    %dma_start3A_95 = arith.constant 0 : i32
    %dma_start3A_96 = tpu.memref_slice %arg4[%add3A_94, %dma_start3A_95] : memref<819200x64xf32, #tpu.memory_space<hbm>> -> memref<128x64xf32, #tpu.memory_space<hbm>>
    %dma_start3A_97 = arith.constant 0 : i32
    %dma_start3A_98 = tpu.memref_slice %arg4[%add3A_94, %dma_start3A_97] : memref<819200x64xf32, #tpu.memory_space<hbm>> -> memref<128x64xf32, #tpu.memory_space<hbm>>
    tpu.enqueue_dma source(%arg6 : memref<128x64xf32, #tpu.memory_space<vmem>>) target(%dma_start3A_98 : memref<128x64xf32, #tpu.memory_space<hbm>>) target_semaphore(%arg22 : memref<!tpu.dma_semaphore, #tpu.memory_space<semaphore_mem>>)
    %dma_wait3A_99 = arith.constant 1 : i32
    %dma_wait3A_100 = arith.constant 0 : i32
    %dma_wait3A_101 = arith.constant 0 : i32
    %dma_wait3A_102 = tpu.memref_slice %arg7[%dma_wait3A_100, %dma_wait3A_101] : memref<128x64xf32, #tpu.memory_space<vmem>> -> memref<128x64xf32, #tpu.memory_space<vmem>>
    %dma_wait3A_103 = arith.constant 0 : i32
    %dma_wait3A_104 = tpu.memref_slice %arg5[%dma_wait3A_99, %dma_wait3A_103] : memref<200x128xi32, #tpu.memory_space<vmem>> -> memref<1x128xi32, #tpu.memory_space<vmem>>
    %dma_wait3A_105 = tpu.memref_squeeze %dma_wait3A_104 : memref<1x128xi32, #tpu.memory_space<vmem>> -> memref<128xi32, #tpu.memory_space<vmem>>
    %dma_wait3A_106 = arith.constant 0 : i32
    %dma_wait3A_107 = arith.constant 0 : i32
    %dma_wait3A_108 = tpu.memref_slice %arg3[%dma_wait3A_106, %dma_wait3A_107] : memref<1000000x64xf32, #tpu.memory_space<hbm>> -> memref<1000000x64xf32, #tpu.memory_space<hbm>>
    tpu.wait_indirect_dma semaphore(%arg15 : memref<!tpu.dma_semaphore, #tpu.memory_space<semaphore_mem>>) src(%dma_wait3A_108 : memref<1000000x64xf32, #tpu.memory_space<hbm>>) dst(%dma_wait3A_102 : memref<128x64xf32, #tpu.memory_space<vmem>>)
    %add3A_109 = arith.constant 128 : i32
    %add3A_110 = arith.addi %mul3A_2, %add3A_109 : i32
    %dma_start3A_111 = arith.constant 0 : i32
    %dma_start3A_112 = tpu.memref_slice %arg4[%add3A_110, %dma_start3A_111] : memref<819200x64xf32, #tpu.memory_space<hbm>> -> memref<128x64xf32, #tpu.memory_space<hbm>>
    %dma_start3A_113 = arith.constant 0 : i32
    %dma_start3A_114 = tpu.memref_slice %arg4[%add3A_110, %dma_start3A_113] : memref<819200x64xf32, #tpu.memory_space<hbm>> -> memref<128x64xf32, #tpu.memory_space<hbm>>
    tpu.enqueue_dma source(%arg7 : memref<128x64xf32, #tpu.memory_space<vmem>>) target(%dma_start3A_114 : memref<128x64xf32, #tpu.memory_space<hbm>>) target_semaphore(%arg23 : memref<!tpu.dma_semaphore, #tpu.memory_space<semaphore_mem>>)
    %dma_wait3A_115 = arith.constant 2 : i32
    %dma_wait3A_116 = arith.constant 0 : i32
    %dma_wait3A_117 = arith.constant 0 : i32
    %dma_wait3A_118 = tpu.memref_slice %arg8[%dma_wait3A_116, %dma_wait3A_117] : memref<128x64xf32, #tpu.memory_space<vmem>> -> memref<128x64xf32, #tpu.memory_space<vmem>>
    %dma_wait3A_119 = arith.constant 0 : i32
    %dma_wait3A_120 = tpu.memref_slice %arg5[%dma_wait3A_115, %dma_wait3A_119] : memref<200x128xi32, #tpu.memory_space<vmem>> -> memref<1x128xi32, #tpu.memory_space<vmem>>
    %dma_wait3A_121 = tpu.memref_squeeze %dma_wait3A_120 : memref<1x128xi32, #tpu.memory_space<vmem>> -> memref<128xi32, #tpu.memory_space<vmem>>
    %dma_wait3A_122 = arith.constant 0 : i32
    %dma_wait3A_123 = arith.constant 0 : i32
    %dma_wait3A_124 = tpu.memref_slice %arg3[%dma_wait3A_122, %dma_wait3A_123] : memref<1000000x64xf32, #tpu.memory_space<hbm>> -> memref<1000000x64xf32, #tpu.memory_space<hbm>>
    tpu.wait_indirect_dma semaphore(%arg16 : memref<!tpu.dma_semaphore, #tpu.memory_space<semaphore_mem>>) src(%dma_wait3A_124 : memref<1000000x64xf32, #tpu.memory_space<hbm>>) dst(%dma_wait3A_118 : memref<128x64xf32, #tpu.memory_space<vmem>>)
    %add3A_125 = arith.constant 256 : i32
    %add3A_126 = arith.addi %mul3A_2, %add3A_125 : i32
    %dma_start3A_127 = arith.constant 0 : i32
    %dma_start3A_128 = tpu.memref_slice %arg4[%add3A_126, %dma_start3A_127] : memref<819200x64xf32, #tpu.memory_space<hbm>> -> memref<128x64xf32, #tpu.memory_space<hbm>>
    %dma_start3A_129 = arith.constant 0 : i32
    %dma_start3A_130 = tpu.memref_slice %arg4[%add3A_126, %dma_start3A_129] : memref<819200x64xf32, #tpu.memory_space<hbm>> -> memref<128x64xf32, #tpu.memory_space<hbm>>
    tpu.enqueue_dma source(%arg8 : memref<128x64xf32, #tpu.memory_space<vmem>>) target(%dma_start3A_130 : memref<128x64xf32, #tpu.memory_space<hbm>>) target_semaphore(%arg24 : memref<!tpu.dma_semaphore, #tpu.memory_space<semaphore_mem>>)
    %dma_wait3A_131 = arith.constant 3 : i32
    %dma_wait3A_132 = arith.constant 0 : i32
    %dma_wait3A_133 = arith.constant 0 : i32
    %dma_wait3A_134 = tpu.memref_slice %arg9[%dma_wait3A_132, %dma_wait3A_133] : memref<128x64xf32, #tpu.memory_space<vmem>> -> memref<128x64xf32, #tpu.memory_space<vmem>>
    %dma_wait3A_135 = arith.constant 0 : i32
    %dma_wait3A_136 = tpu.memref_slice %arg5[%dma_wait3A_131, %dma_wait3A_135] : memref<200x128xi32, #tpu.memory_space<vmem>> -> memref<1x128xi32, #tpu.memory_space<vmem>>
    %dma_wait3A_137 = tpu.memref_squeeze %dma_wait3A_136 : memref<1x128xi32, #tpu.memory_space<vmem>> -> memref<128xi32, #tpu.memory_space<vmem>>
    %dma_wait3A_138 = arith.constant 0 : i32
    %dma_wait3A_139 = arith.constant 0 : i32
    %dma_wait3A_140 = tpu.memref_slice %arg3[%dma_wait3A_138, %dma_wait3A_139] : memref<1000000x64xf32, #tpu.memory_space<hbm>> -> memref<1000000x64xf32, #tpu.memory_space<hbm>>
    tpu.wait_indirect_dma semaphore(%arg17 : memref<!tpu.dma_semaphore, #tpu.memory_space<semaphore_mem>>) src(%dma_wait3A_140 : memref<1000000x64xf32, #tpu.memory_space<hbm>>) dst(%dma_wait3A_134 : memref<128x64xf32, #tpu.memory_space<vmem>>)
    %add3A_141 = arith.constant 384 : i32
    %add3A_142 = arith.addi %mul3A_2, %add3A_141 : i32
    %dma_start3A_143 = arith.constant 0 : i32
    %dma_start3A_144 = tpu.memref_slice %arg4[%add3A_142, %dma_start3A_143] : memref<819200x64xf32, #tpu.memory_space<hbm>> -> memref<128x64xf32, #tpu.memory_space<hbm>>
    %dma_start3A_145 = arith.constant 0 : i32
    %dma_start3A_146 = tpu.memref_slice %arg4[%add3A_142, %dma_start3A_145] : memref<819200x64xf32, #tpu.memory_space<hbm>> -> memref<128x64xf32, #tpu.memory_space<hbm>>
    tpu.enqueue_dma source(%arg9 : memref<128x64xf32, #tpu.memory_space<vmem>>) target(%dma_start3A_146 : memref<128x64xf32, #tpu.memory_space<hbm>>) target_semaphore(%arg25 : memref<!tpu.dma_semaphore, #tpu.memory_space<semaphore_mem>>)
    %dma_wait3A_147 = arith.constant 4 : i32
    %dma_wait3A_148 = arith.constant 0 : i32
    %dma_wait3A_149 = arith.constant 0 : i32
    %dma_wait3A_150 = tpu.memref_slice %arg10[%dma_wait3A_148, %dma_wait3A_149] : memref<128x64xf32, #tpu.memory_space<vmem>> -> memref<128x64xf32, #tpu.memory_space<vmem>>
    %dma_wait3A_151 = arith.constant 0 : i32
    %dma_wait3A_152 = tpu.memref_slice %arg5[%dma_wait3A_147, %dma_wait3A_151] : memref<200x128xi32, #tpu.memory_space<vmem>> -> memref<1x128xi32, #tpu.memory_space<vmem>>
    %dma_wait3A_153 = tpu.memref_squeeze %dma_wait3A_152 : memref<1x128xi32, #tpu.memory_space<vmem>> -> memref<128xi32, #tpu.memory_space<vmem>>
    %dma_wait3A_154 = arith.constant 0 : i32
    %dma_wait3A_155 = arith.constant 0 : i32
    %dma_wait3A_156 = tpu.memref_slice %arg3[%dma_wait3A_154, %dma_wait3A_155] : memref<1000000x64xf32, #tpu.memory_space<hbm>> -> memref<1000000x64xf32, #tpu.memory_space<hbm>>
    tpu.wait_indirect_dma semaphore(%arg18 : memref<!tpu.dma_semaphore, #tpu.memory_space<semaphore_mem>>) src(%dma_wait3A_156 : memref<1000000x64xf32, #tpu.memory_space<hbm>>) dst(%dma_wait3A_150 : memref<128x64xf32, #tpu.memory_space<vmem>>)
    %add3A_157 = arith.constant 512 : i32
    %add3A_158 = arith.addi %mul3A_2, %add3A_157 : i32
    %dma_start3A_159 = arith.constant 0 : i32
    %dma_start3A_160 = tpu.memref_slice %arg4[%add3A_158, %dma_start3A_159] : memref<819200x64xf32, #tpu.memory_space<hbm>> -> memref<128x64xf32, #tpu.memory_space<hbm>>
    %dma_start3A_161 = arith.constant 0 : i32
    %dma_start3A_162 = tpu.memref_slice %arg4[%add3A_158, %dma_start3A_161] : memref<819200x64xf32, #tpu.memory_space<hbm>> -> memref<128x64xf32, #tpu.memory_space<hbm>>
    tpu.enqueue_dma source(%arg10 : memref<128x64xf32, #tpu.memory_space<vmem>>) target(%dma_start3A_162 : memref<128x64xf32, #tpu.memory_space<hbm>>) target_semaphore(%arg26 : memref<!tpu.dma_semaphore, #tpu.memory_space<semaphore_mem>>)
    %dma_wait3A_163 = arith.constant 5 : i32
    %dma_wait3A_164 = arith.constant 0 : i32
    %dma_wait3A_165 = arith.constant 0 : i32
    %dma_wait3A_166 = tpu.memref_slice %arg11[%dma_wait3A_164, %dma_wait3A_165] : memref<128x64xf32, #tpu.memory_space<vmem>> -> memref<128x64xf32, #tpu.memory_space<vmem>>
    %dma_wait3A_167 = arith.constant 0 : i32
    %dma_wait3A_168 = tpu.memref_slice %arg5[%dma_wait3A_163, %dma_wait3A_167] : memref<200x128xi32, #tpu.memory_space<vmem>> -> memref<1x128xi32, #tpu.memory_space<vmem>>
    %dma_wait3A_169 = tpu.memref_squeeze %dma_wait3A_168 : memref<1x128xi32, #tpu.memory_space<vmem>> -> memref<128xi32, #tpu.memory_space<vmem>>
    %dma_wait3A_170 = arith.constant 0 : i32
    %dma_wait3A_171 = arith.constant 0 : i32
    %dma_wait3A_172 = tpu.memref_slice %arg3[%dma_wait3A_170, %dma_wait3A_171] : memref<1000000x64xf32, #tpu.memory_space<hbm>> -> memref<1000000x64xf32, #tpu.memory_space<hbm>>
    tpu.wait_indirect_dma semaphore(%arg19 : memref<!tpu.dma_semaphore, #tpu.memory_space<semaphore_mem>>) src(%dma_wait3A_172 : memref<1000000x64xf32, #tpu.memory_space<hbm>>) dst(%dma_wait3A_166 : memref<128x64xf32, #tpu.memory_space<vmem>>)
    %add3A_173 = arith.constant 640 : i32
    %add3A_174 = arith.addi %mul3A_2, %add3A_173 : i32
    %dma_start3A_175 = arith.constant 0 : i32
    %dma_start3A_176 = tpu.memref_slice %arg4[%add3A_174, %dma_start3A_175] : memref<819200x64xf32, #tpu.memory_space<hbm>> -> memref<128x64xf32, #tpu.memory_space<hbm>>
    %dma_start3A_177 = arith.constant 0 : i32
    %dma_start3A_178 = tpu.memref_slice %arg4[%add3A_174, %dma_start3A_177] : memref<819200x64xf32, #tpu.memory_space<hbm>> -> memref<128x64xf32, #tpu.memory_space<hbm>>
    tpu.enqueue_dma source(%arg11 : memref<128x64xf32, #tpu.memory_space<vmem>>) target(%dma_start3A_178 : memref<128x64xf32, #tpu.memory_space<hbm>>) target_semaphore(%arg27 : memref<!tpu.dma_semaphore, #tpu.memory_space<semaphore_mem>>)
    %dma_wait3A_179 = arith.constant 6 : i32
    %dma_wait3A_180 = arith.constant 0 : i32
    %dma_wait3A_181 = arith.constant 0 : i32
    %dma_wait3A_182 = tpu.memref_slice %arg12[%dma_wait3A_180, %dma_wait3A_181] : memref<128x64xf32, #tpu.memory_space<vmem>> -> memref<128x64xf32, #tpu.memory_space<vmem>>
    %dma_wait3A_183 = arith.constant 0 : i32
    %dma_wait3A_184 = tpu.memref_slice %arg5[%dma_wait3A_179, %dma_wait3A_183] : memref<200x128xi32, #tpu.memory_space<vmem>> -> memref<1x128xi32, #tpu.memory_space<vmem>>
    %dma_wait3A_185 = tpu.memref_squeeze %dma_wait3A_184 : memref<1x128xi32, #tpu.memory_space<vmem>> -> memref<128xi32, #tpu.memory_space<vmem>>
    %dma_wait3A_186 = arith.constant 0 : i32
    %dma_wait3A_187 = arith.constant 0 : i32
    %dma_wait3A_188 = tpu.memref_slice %arg3[%dma_wait3A_186, %dma_wait3A_187] : memref<1000000x64xf32, #tpu.memory_space<hbm>> -> memref<1000000x64xf32, #tpu.memory_space<hbm>>
    tpu.wait_indirect_dma semaphore(%arg20 : memref<!tpu.dma_semaphore, #tpu.memory_space<semaphore_mem>>) src(%dma_wait3A_188 : memref<1000000x64xf32, #tpu.memory_space<hbm>>) dst(%dma_wait3A_182 : memref<128x64xf32, #tpu.memory_space<vmem>>)
    %add3A_189 = arith.constant 768 : i32
    %add3A_190 = arith.addi %mul3A_2, %add3A_189 : i32
    %dma_start3A_191 = arith.constant 0 : i32
    %dma_start3A_192 = tpu.memref_slice %arg4[%add3A_190, %dma_start3A_191] : memref<819200x64xf32, #tpu.memory_space<hbm>> -> memref<128x64xf32, #tpu.memory_space<hbm>>
    %dma_start3A_193 = arith.constant 0 : i32
    %dma_start3A_194 = tpu.memref_slice %arg4[%add3A_190, %dma_start3A_193] : memref<819200x64xf32, #tpu.memory_space<hbm>> -> memref<128x64xf32, #tpu.memory_space<hbm>>
    tpu.enqueue_dma source(%arg12 : memref<128x64xf32, #tpu.memory_space<vmem>>) target(%dma_start3A_194 : memref<128x64xf32, #tpu.memory_space<hbm>>) target_semaphore(%arg28 : memref<!tpu.dma_semaphore, #tpu.memory_space<semaphore_mem>>)
    %dma_wait3A_195 = arith.constant 7 : i32
    %dma_wait3A_196 = arith.constant 0 : i32
    %dma_wait3A_197 = arith.constant 0 : i32
    %dma_wait3A_198 = tpu.memref_slice %arg13[%dma_wait3A_196, %dma_wait3A_197] : memref<128x64xf32, #tpu.memory_space<vmem>> -> memref<128x64xf32, #tpu.memory_space<vmem>>
    %dma_wait3A_199 = arith.constant 0 : i32
    %dma_wait3A_200 = tpu.memref_slice %arg5[%dma_wait3A_195, %dma_wait3A_199] : memref<200x128xi32, #tpu.memory_space<vmem>> -> memref<1x128xi32, #tpu.memory_space<vmem>>
    %dma_wait3A_201 = tpu.memref_squeeze %dma_wait3A_200 : memref<1x128xi32, #tpu.memory_space<vmem>> -> memref<128xi32, #tpu.memory_space<vmem>>
    %dma_wait3A_202 = arith.constant 0 : i32
    %dma_wait3A_203 = arith.constant 0 : i32
    %dma_wait3A_204 = tpu.memref_slice %arg3[%dma_wait3A_202, %dma_wait3A_203] : memref<1000000x64xf32, #tpu.memory_space<hbm>> -> memref<1000000x64xf32, #tpu.memory_space<hbm>>
    tpu.wait_indirect_dma semaphore(%arg21 : memref<!tpu.dma_semaphore, #tpu.memory_space<semaphore_mem>>) src(%dma_wait3A_204 : memref<1000000x64xf32, #tpu.memory_space<hbm>>) dst(%dma_wait3A_198 : memref<128x64xf32, #tpu.memory_space<vmem>>)
    %add3A_205 = arith.constant 896 : i32
    %add3A_206 = arith.addi %mul3A_2, %add3A_205 : i32
    %dma_start3A_207 = arith.constant 0 : i32
    %dma_start3A_208 = tpu.memref_slice %arg4[%add3A_206, %dma_start3A_207] : memref<819200x64xf32, #tpu.memory_space<hbm>> -> memref<128x64xf32, #tpu.memory_space<hbm>>
    %dma_start3A_209 = arith.constant 0 : i32
    %dma_start3A_210 = tpu.memref_slice %arg4[%add3A_206, %dma_start3A_209] : memref<819200x64xf32, #tpu.memory_space<hbm>> -> memref<128x64xf32, #tpu.memory_space<hbm>>
    tpu.enqueue_dma source(%arg13 : memref<128x64xf32, #tpu.memory_space<vmem>>) target(%dma_start3A_210 : memref<128x64xf32, #tpu.memory_space<hbm>>) target_semaphore(%arg29 : memref<!tpu.dma_semaphore, #tpu.memory_space<semaphore_mem>>)
    %scan3A = arith.constant 0 : i32
    %scan3A_211 = arith.constant 1 : i32
    %scan3A_212 = arith.constant 24 : i32
    %scan3A_213 = arith.addi %scan3A_211, %scan3A_212 : i32
    %scan3A_214 = arith.constant 1 : i32
    %scan3A_215 = scf.for %scan3A_265 = %scan3A_211 to %scan3A_213 step %scan3A_214 iter_args(%scan3A_266 = %scan3A) -> (i32)  : i32 {
      %mul3A_267 = arith.constant 8 : i32
      %mul3A_268 = arith.muli %scan3A_265, %mul3A_267 : i32
      %add3A_269 = arith.constant 0 : i32
      %add3A_270 = arith.addi %mul3A_268, %add3A_269 : i32
      %sub3A = arith.constant 8 : i32
      %sub3A_271 = arith.subi %add3A_270, %sub3A : i32
      %mul3A_272 = arith.constant 128 : i32
      %mul3A_273 = arith.muli %sub3A_271, %mul3A_272 : i32
      %add3A_274 = arith.addi %mul3A_2, %mul3A_273 : i32
      %dma_wait3A_275 = arith.constant 0 : i32
      %dma_wait3A_276 = tpu.memref_slice %arg4[%add3A_274, %dma_wait3A_275] : memref<819200x64xf32, #tpu.memory_space<hbm>> -> memref<128x64xf32, #tpu.memory_space<hbm>>
      %dma_wait3A_277 = arith.constant 0 : i32
      %dma_wait3A_278 = tpu.memref_slice %arg4[%add3A_274, %dma_wait3A_277] : memref<819200x64xf32, #tpu.memory_space<hbm>> -> memref<128x64xf32, #tpu.memory_space<hbm>>
      tpu.wait_dma2 semaphore(%arg22 : memref<!tpu.dma_semaphore, #tpu.memory_space<semaphore_mem>>) src(%arg6 : memref<128x64xf32, #tpu.memory_space<vmem>>) dst(%dma_wait3A_278 : memref<128x64xf32, #tpu.memory_space<hbm>>)
      %add3A_279 = arith.constant 0 : i32
      %add3A_280 = arith.addi %mul3A_268, %add3A_279 : i32
      %mul3A_281 = arith.constant 1 : i32
      %mul3A_282 = arith.muli %add3A_280, %mul3A_281 : i32
      %add3A_283 = arith.constant 0 : i32
      %add3A_284 = arith.addi %mul3A_282, %add3A_283 : i32
      %dma_start3A_285 = arith.constant 0 : i32
      %dma_start3A_286 = arith.constant 0 : i32
      %dma_start3A_287 = tpu.memref_slice %arg6[%dma_start3A_285, %dma_start3A_286] : memref<128x64xf32, #tpu.memory_space<vmem>> -> memref<128x64xf32, #tpu.memory_space<vmem>>
      %dma_start3A_288 = arith.constant 0 : i32
      %dma_start3A_289 = tpu.memref_slice %arg5[%add3A_284, %dma_start3A_288] : memref<200x128xi32, #tpu.memory_space<vmem>> -> memref<1x128xi32, #tpu.memory_space<vmem>>
      %dma_start3A_290 = tpu.memref_squeeze %dma_start3A_289 : memref<1x128xi32, #tpu.memory_space<vmem>> -> memref<128xi32, #tpu.memory_space<vmem>>
      %dma_start3A_291 = arith.constant 0 : i32
      %dma_start3A_292 = arith.constant 0 : i32
      %dma_start3A_293 = tpu.memref_slice %arg3[%dma_start3A_291, %dma_start3A_292] : memref<1000000x64xf32, #tpu.memory_space<hbm>> -> memref<1000000x64xf32, #tpu.memory_space<hbm>>
      tpu.enqueue_indirect_dma source(%dma_start3A_293 : memref<1000000x64xf32, #tpu.memory_space<hbm>>) target(%dma_start3A_287 : memref<128x64xf32, #tpu.memory_space<vmem>>) offsets(%dma_start3A_290 : memref<128xi32, #tpu.memory_space<vmem>>) semaphore(%arg14 : memref<!tpu.dma_semaphore, #tpu.memory_space<semaphore_mem>>)
      %add3A_294 = arith.constant 1 : i32
      %add3A_295 = arith.addi %mul3A_268, %add3A_294 : i32
      %sub3A_296 = arith.constant 8 : i32
      %sub3A_297 = arith.subi %add3A_295, %sub3A_296 : i32
      %mul3A_298 = arith.constant 128 : i32
      %mul3A_299 = arith.muli %sub3A_297, %mul3A_298 : i32
      %add3A_300 = arith.addi %mul3A_2, %mul3A_299 : i32
      %dma_wait3A_301 = arith.constant 0 : i32
      %dma_wait3A_302 = tpu.memref_slice %arg4[%add3A_300, %dma_wait3A_301] : memref<819200x64xf32, #tpu.memory_space<hbm>> -> memref<128x64xf32, #tpu.memory_space<hbm>>
      %dma_wait3A_303 = arith.constant 0 : i32
      %dma_wait3A_304 = tpu.memref_slice %arg4[%add3A_300, %dma_wait3A_303] : memref<819200x64xf32, #tpu.memory_space<hbm>> -> memref<128x64xf32, #tpu.memory_space<hbm>>
      tpu.wait_dma2 semaphore(%arg23 : memref<!tpu.dma_semaphore, #tpu.memory_space<semaphore_mem>>) src(%arg7 : memref<128x64xf32, #tpu.memory_space<vmem>>) dst(%dma_wait3A_304 : memref<128x64xf32, #tpu.memory_space<hbm>>)
      %add3A_305 = arith.constant 1 : i32
      %add3A_306 = arith.addi %mul3A_268, %add3A_305 : i32
      %mul3A_307 = arith.constant 1 : i32
      %mul3A_308 = arith.muli %add3A_306, %mul3A_307 : i32
      %add3A_309 = arith.constant 0 : i32
      %add3A_310 = arith.addi %mul3A_308, %add3A_309 : i32
      %dma_start3A_311 = arith.constant 0 : i32
      %dma_start3A_312 = arith.constant 0 : i32
      %dma_start3A_313 = tpu.memref_slice %arg7[%dma_start3A_311, %dma_start3A_312] : memref<128x64xf32, #tpu.memory_space<vmem>> -> memref<128x64xf32, #tpu.memory_space<vmem>>
      %dma_start3A_314 = arith.constant 0 : i32
      %dma_start3A_315 = tpu.memref_slice %arg5[%add3A_310, %dma_start3A_314] : memref<200x128xi32, #tpu.memory_space<vmem>> -> memref<1x128xi32, #tpu.memory_space<vmem>>
      %dma_start3A_316 = tpu.memref_squeeze %dma_start3A_315 : memref<1x128xi32, #tpu.memory_space<vmem>> -> memref<128xi32, #tpu.memory_space<vmem>>
      %dma_start3A_317 = arith.constant 0 : i32
      %dma_start3A_318 = arith.constant 0 : i32
      %dma_start3A_319 = tpu.memref_slice %arg3[%dma_start3A_317, %dma_start3A_318] : memref<1000000x64xf32, #tpu.memory_space<hbm>> -> memref<1000000x64xf32, #tpu.memory_space<hbm>>
      tpu.enqueue_indirect_dma source(%dma_start3A_319 : memref<1000000x64xf32, #tpu.memory_space<hbm>>) target(%dma_start3A_313 : memref<128x64xf32, #tpu.memory_space<vmem>>) offsets(%dma_start3A_316 : memref<128xi32, #tpu.memory_space<vmem>>) semaphore(%arg15 : memref<!tpu.dma_semaphore, #tpu.memory_space<semaphore_mem>>)
      %add3A_320 = arith.constant 2 : i32
      %add3A_321 = arith.addi %mul3A_268, %add3A_320 : i32
      %sub3A_322 = arith.constant 8 : i32
      %sub3A_323 = arith.subi %add3A_321, %sub3A_322 : i32
      %mul3A_324 = arith.constant 128 : i32
      %mul3A_325 = arith.muli %sub3A_323, %mul3A_324 : i32
      %add3A_326 = arith.addi %mul3A_2, %mul3A_325 : i32
      %dma_wait3A_327 = arith.constant 0 : i32
      %dma_wait3A_328 = tpu.memref_slice %arg4[%add3A_326, %dma_wait3A_327] : memref<819200x64xf32, #tpu.memory_space<hbm>> -> memref<128x64xf32, #tpu.memory_space<hbm>>
      %dma_wait3A_329 = arith.constant 0 : i32
      %dma_wait3A_330 = tpu.memref_slice %arg4[%add3A_326, %dma_wait3A_329] : memref<819200x64xf32, #tpu.memory_space<hbm>> -> memref<128x64xf32, #tpu.memory_space<hbm>>
      tpu.wait_dma2 semaphore(%arg24 : memref<!tpu.dma_semaphore, #tpu.memory_space<semaphore_mem>>) src(%arg8 : memref<128x64xf32, #tpu.memory_space<vmem>>) dst(%dma_wait3A_330 : memref<128x64xf32, #tpu.memory_space<hbm>>)
      %add3A_331 = arith.constant 2 : i32
      %add3A_332 = arith.addi %mul3A_268, %add3A_331 : i32
      %mul3A_333 = arith.constant 1 : i32
      %mul3A_334 = arith.muli %add3A_332, %mul3A_333 : i32
      %add3A_335 = arith.constant 0 : i32
      %add3A_336 = arith.addi %mul3A_334, %add3A_335 : i32
      %dma_start3A_337 = arith.constant 0 : i32
      %dma_start3A_338 = arith.constant 0 : i32
      %dma_start3A_339 = tpu.memref_slice %arg8[%dma_start3A_337, %dma_start3A_338] : memref<128x64xf32, #tpu.memory_space<vmem>> -> memref<128x64xf32, #tpu.memory_space<vmem>>
      %dma_start3A_340 = arith.constant 0 : i32
      %dma_start3A_341 = tpu.memref_slice %arg5[%add3A_336, %dma_start3A_340] : memref<200x128xi32, #tpu.memory_space<vmem>> -> memref<1x128xi32, #tpu.memory_space<vmem>>
      %dma_start3A_342 = tpu.memref_squeeze %dma_start3A_341 : memref<1x128xi32, #tpu.memory_space<vmem>> -> memref<128xi32, #tpu.memory_space<vmem>>
      %dma_start3A_343 = arith.constant 0 : i32
      %dma_start3A_344 = arith.constant 0 : i32
      %dma_start3A_345 = tpu.memref_slice %arg3[%dma_start3A_343, %dma_start3A_344] : memref<1000000x64xf32, #tpu.memory_space<hbm>> -> memref<1000000x64xf32, #tpu.memory_space<hbm>>
      tpu.enqueue_indirect_dma source(%dma_start3A_345 : memref<1000000x64xf32, #tpu.memory_space<hbm>>) target(%dma_start3A_339 : memref<128x64xf32, #tpu.memory_space<vmem>>) offsets(%dma_start3A_342 : memref<128xi32, #tpu.memory_space<vmem>>) semaphore(%arg16 : memref<!tpu.dma_semaphore, #tpu.memory_space<semaphore_mem>>)
      %add3A_346 = arith.constant 3 : i32
      %add3A_347 = arith.addi %mul3A_268, %add3A_346 : i32
      %sub3A_348 = arith.constant 8 : i32
      %sub3A_349 = arith.subi %add3A_347, %sub3A_348 : i32
      %mul3A_350 = arith.constant 128 : i32
      %mul3A_351 = arith.muli %sub3A_349, %mul3A_350 : i32
      %add3A_352 = arith.addi %mul3A_2, %mul3A_351 : i32
      %dma_wait3A_353 = arith.constant 0 : i32
      %dma_wait3A_354 = tpu.memref_slice %arg4[%add3A_352, %dma_wait3A_353] : memref<819200x64xf32, #tpu.memory_space<hbm>> -> memref<128x64xf32, #tpu.memory_space<hbm>>
      %dma_wait3A_355 = arith.constant 0 : i32
      %dma_wait3A_356 = tpu.memref_slice %arg4[%add3A_352, %dma_wait3A_355] : memref<819200x64xf32, #tpu.memory_space<hbm>> -> memref<128x64xf32, #tpu.memory_space<hbm>>
      tpu.wait_dma2 semaphore(%arg25 : memref<!tpu.dma_semaphore, #tpu.memory_space<semaphore_mem>>) src(%arg9 : memref<128x64xf32, #tpu.memory_space<vmem>>) dst(%dma_wait3A_356 : memref<128x64xf32, #tpu.memory_space<hbm>>)
      %add3A_357 = arith.constant 3 : i32
      %add3A_358 = arith.addi %mul3A_268, %add3A_357 : i32
      %mul3A_359 = arith.constant 1 : i32
      %mul3A_360 = arith.muli %add3A_358, %mul3A_359 : i32
      %add3A_361 = arith.constant 0 : i32
      %add3A_362 = arith.addi %mul3A_360, %add3A_361 : i32
      %dma_start3A_363 = arith.constant 0 : i32
      %dma_start3A_364 = arith.constant 0 : i32
      %dma_start3A_365 = tpu.memref_slice %arg9[%dma_start3A_363, %dma_start3A_364] : memref<128x64xf32, #tpu.memory_space<vmem>> -> memref<128x64xf32, #tpu.memory_space<vmem>>
      %dma_start3A_366 = arith.constant 0 : i32
      %dma_start3A_367 = tpu.memref_slice %arg5[%add3A_362, %dma_start3A_366] : memref<200x128xi32, #tpu.memory_space<vmem>> -> memref<1x128xi32, #tpu.memory_space<vmem>>
      %dma_start3A_368 = tpu.memref_squeeze %dma_start3A_367 : memref<1x128xi32, #tpu.memory_space<vmem>> -> memref<128xi32, #tpu.memory_space<vmem>>
      %dma_start3A_369 = arith.constant 0 : i32
      %dma_start3A_370 = arith.constant 0 : i32
      %dma_start3A_371 = tpu.memref_slice %arg3[%dma_start3A_369, %dma_start3A_370] : memref<1000000x64xf32, #tpu.memory_space<hbm>> -> memref<1000000x64xf32, #tpu.memory_space<hbm>>
      tpu.enqueue_indirect_dma source(%dma_start3A_371 : memref<1000000x64xf32, #tpu.memory_space<hbm>>) target(%dma_start3A_365 : memref<128x64xf32, #tpu.memory_space<vmem>>) offsets(%dma_start3A_368 : memref<128xi32, #tpu.memory_space<vmem>>) semaphore(%arg17 : memref<!tpu.dma_semaphore, #tpu.memory_space<semaphore_mem>>)
      %add3A_372 = arith.constant 4 : i32
      %add3A_373 = arith.addi %mul3A_268, %add3A_372 : i32
      %sub3A_374 = arith.constant 8 : i32
      %sub3A_375 = arith.subi %add3A_373, %sub3A_374 : i32
      %mul3A_376 = arith.constant 128 : i32
      %mul3A_377 = arith.muli %sub3A_375, %mul3A_376 : i32
      %add3A_378 = arith.addi %mul3A_2, %mul3A_377 : i32
      %dma_wait3A_379 = arith.constant 0 : i32
      %dma_wait3A_380 = tpu.memref_slice %arg4[%add3A_378, %dma_wait3A_379] : memref<819200x64xf32, #tpu.memory_space<hbm>> -> memref<128x64xf32, #tpu.memory_space<hbm>>
      %dma_wait3A_381 = arith.constant 0 : i32
      %dma_wait3A_382 = tpu.memref_slice %arg4[%add3A_378, %dma_wait3A_381] : memref<819200x64xf32, #tpu.memory_space<hbm>> -> memref<128x64xf32, #tpu.memory_space<hbm>>
      tpu.wait_dma2 semaphore(%arg26 : memref<!tpu.dma_semaphore, #tpu.memory_space<semaphore_mem>>) src(%arg10 : memref<128x64xf32, #tpu.memory_space<vmem>>) dst(%dma_wait3A_382 : memref<128x64xf32, #tpu.memory_space<hbm>>)
      %add3A_383 = arith.constant 4 : i32
      %add3A_384 = arith.addi %mul3A_268, %add3A_383 : i32
      %mul3A_385 = arith.constant 1 : i32
      %mul3A_386 = arith.muli %add3A_384, %mul3A_385 : i32
      %add3A_387 = arith.constant 0 : i32
      %add3A_388 = arith.addi %mul3A_386, %add3A_387 : i32
      %dma_start3A_389 = arith.constant 0 : i32
      %dma_start3A_390 = arith.constant 0 : i32
      %dma_start3A_391 = tpu.memref_slice %arg10[%dma_start3A_389, %dma_start3A_390] : memref<128x64xf32, #tpu.memory_space<vmem>> -> memref<128x64xf32, #tpu.memory_space<vmem>>
      %dma_start3A_392 = arith.constant 0 : i32
      %dma_start3A_393 = tpu.memref_slice %arg5[%add3A_388, %dma_start3A_392] : memref<200x128xi32, #tpu.memory_space<vmem>> -> memref<1x128xi32, #tpu.memory_space<vmem>>
      %dma_start3A_394 = tpu.memref_squeeze %dma_start3A_393 : memref<1x128xi32, #tpu.memory_space<vmem>> -> memref<128xi32, #tpu.memory_space<vmem>>
      %dma_start3A_395 = arith.constant 0 : i32
      %dma_start3A_396 = arith.constant 0 : i32
      %dma_start3A_397 = tpu.memref_slice %arg3[%dma_start3A_395, %dma_start3A_396] : memref<1000000x64xf32, #tpu.memory_space<hbm>> -> memref<1000000x64xf32, #tpu.memory_space<hbm>>
      tpu.enqueue_indirect_dma source(%dma_start3A_397 : memref<1000000x64xf32, #tpu.memory_space<hbm>>) target(%dma_start3A_391 : memref<128x64xf32, #tpu.memory_space<vmem>>) offsets(%dma_start3A_394 : memref<128xi32, #tpu.memory_space<vmem>>) semaphore(%arg18 : memref<!tpu.dma_semaphore, #tpu.memory_space<semaphore_mem>>)
      %add3A_398 = arith.constant 5 : i32
      %add3A_399 = arith.addi %mul3A_268, %add3A_398 : i32
      %sub3A_400 = arith.constant 8 : i32
      %sub3A_401 = arith.subi %add3A_399, %sub3A_400 : i32
      %mul3A_402 = arith.constant 128 : i32
      %mul3A_403 = arith.muli %sub3A_401, %mul3A_402 : i32
      %add3A_404 = arith.addi %mul3A_2, %mul3A_403 : i32
      %dma_wait3A_405 = arith.constant 0 : i32
      %dma_wait3A_406 = tpu.memref_slice %arg4[%add3A_404, %dma_wait3A_405] : memref<819200x64xf32, #tpu.memory_space<hbm>> -> memref<128x64xf32, #tpu.memory_space<hbm>>
      %dma_wait3A_407 = arith.constant 0 : i32
      %dma_wait3A_408 = tpu.memref_slice %arg4[%add3A_404, %dma_wait3A_407] : memref<819200x64xf32, #tpu.memory_space<hbm>> -> memref<128x64xf32, #tpu.memory_space<hbm>>
      tpu.wait_dma2 semaphore(%arg27 : memref<!tpu.dma_semaphore, #tpu.memory_space<semaphore_mem>>) src(%arg11 : memref<128x64xf32, #tpu.memory_space<vmem>>) dst(%dma_wait3A_408 : memref<128x64xf32, #tpu.memory_space<hbm>>)
      %add3A_409 = arith.constant 5 : i32
      %add3A_410 = arith.addi %mul3A_268, %add3A_409 : i32
      %mul3A_411 = arith.constant 1 : i32
      %mul3A_412 = arith.muli %add3A_410, %mul3A_411 : i32
      %add3A_413 = arith.constant 0 : i32
      %add3A_414 = arith.addi %mul3A_412, %add3A_413 : i32
      %dma_start3A_415 = arith.constant 0 : i32
      %dma_start3A_416 = arith.constant 0 : i32
      %dma_start3A_417 = tpu.memref_slice %arg11[%dma_start3A_415, %dma_start3A_416] : memref<128x64xf32, #tpu.memory_space<vmem>> -> memref<128x64xf32, #tpu.memory_space<vmem>>
      %dma_start3A_418 = arith.constant 0 : i32
      %dma_start3A_419 = tpu.memref_slice %arg5[%add3A_414, %dma_start3A_418] : memref<200x128xi32, #tpu.memory_space<vmem>> -> memref<1x128xi32, #tpu.memory_space<vmem>>
      %dma_start3A_420 = tpu.memref_squeeze %dma_start3A_419 : memref<1x128xi32, #tpu.memory_space<vmem>> -> memref<128xi32, #tpu.memory_space<vmem>>
      %dma_start3A_421 = arith.constant 0 : i32
      %dma_start3A_422 = arith.constant 0 : i32
      %dma_start3A_423 = tpu.memref_slice %arg3[%dma_start3A_421, %dma_start3A_422] : memref<1000000x64xf32, #tpu.memory_space<hbm>> -> memref<1000000x64xf32, #tpu.memory_space<hbm>>
      tpu.enqueue_indirect_dma source(%dma_start3A_423 : memref<1000000x64xf32, #tpu.memory_space<hbm>>) target(%dma_start3A_417 : memref<128x64xf32, #tpu.memory_space<vmem>>) offsets(%dma_start3A_420 : memref<128xi32, #tpu.memory_space<vmem>>) semaphore(%arg19 : memref<!tpu.dma_semaphore, #tpu.memory_space<semaphore_mem>>)
      %add3A_424 = arith.constant 6 : i32
      %add3A_425 = arith.addi %mul3A_268, %add3A_424 : i32
      %sub3A_426 = arith.constant 8 : i32
      %sub3A_427 = arith.subi %add3A_425, %sub3A_426 : i32
      %mul3A_428 = arith.constant 128 : i32
      %mul3A_429 = arith.muli %sub3A_427, %mul3A_428 : i32
      %add3A_430 = arith.addi %mul3A_2, %mul3A_429 : i32
      %dma_wait3A_431 = arith.constant 0 : i32
      %dma_wait3A_432 = tpu.memref_slice %arg4[%add3A_430, %dma_wait3A_431] : memref<819200x64xf32, #tpu.memory_space<hbm>> -> memref<128x64xf32, #tpu.memory_space<hbm>>
      %dma_wait3A_433 = arith.constant 0 : i32
      %dma_wait3A_434 = tpu.memref_slice %arg4[%add3A_430, %dma_wait3A_433] : memref<819200x64xf32, #tpu.memory_space<hbm>> -> memref<128x64xf32, #tpu.memory_space<hbm>>
      tpu.wait_dma2 semaphore(%arg28 : memref<!tpu.dma_semaphore, #tpu.memory_space<semaphore_mem>>) src(%arg12 : memref<128x64xf32, #tpu.memory_space<vmem>>) dst(%dma_wait3A_434 : memref<128x64xf32, #tpu.memory_space<hbm>>)
      %add3A_435 = arith.constant 6 : i32
      %add3A_436 = arith.addi %mul3A_268, %add3A_435 : i32
      %mul3A_437 = arith.constant 1 : i32
      %mul3A_438 = arith.muli %add3A_436, %mul3A_437 : i32
      %add3A_439 = arith.constant 0 : i32
      %add3A_440 = arith.addi %mul3A_438, %add3A_439 : i32
      %dma_start3A_441 = arith.constant 0 : i32
      %dma_start3A_442 = arith.constant 0 : i32
      %dma_start3A_443 = tpu.memref_slice %arg12[%dma_start3A_441, %dma_start3A_442] : memref<128x64xf32, #tpu.memory_space<vmem>> -> memref<128x64xf32, #tpu.memory_space<vmem>>
      %dma_start3A_444 = arith.constant 0 : i32
      %dma_start3A_445 = tpu.memref_slice %arg5[%add3A_440, %dma_start3A_444] : memref<200x128xi32, #tpu.memory_space<vmem>> -> memref<1x128xi32, #tpu.memory_space<vmem>>
      %dma_start3A_446 = tpu.memref_squeeze %dma_start3A_445 : memref<1x128xi32, #tpu.memory_space<vmem>> -> memref<128xi32, #tpu.memory_space<vmem>>
      %dma_start3A_447 = arith.constant 0 : i32
      %dma_start3A_448 = arith.constant 0 : i32
      %dma_start3A_449 = tpu.memref_slice %arg3[%dma_start3A_447, %dma_start3A_448] : memref<1000000x64xf32, #tpu.memory_space<hbm>> -> memref<1000000x64xf32, #tpu.memory_space<hbm>>
      tpu.enqueue_indirect_dma source(%dma_start3A_449 : memref<1000000x64xf32, #tpu.memory_space<hbm>>) target(%dma_start3A_443 : memref<128x64xf32, #tpu.memory_space<vmem>>) offsets(%dma_start3A_446 : memref<128xi32, #tpu.memory_space<vmem>>) semaphore(%arg20 : memref<!tpu.dma_semaphore, #tpu.memory_space<semaphore_mem>>)
      %add3A_450 = arith.constant 7 : i32
      %add3A_451 = arith.addi %mul3A_268, %add3A_450 : i32
      %sub3A_452 = arith.constant 8 : i32
      %sub3A_453 = arith.subi %add3A_451, %sub3A_452 : i32
      %mul3A_454 = arith.constant 128 : i32
      %mul3A_455 = arith.muli %sub3A_453, %mul3A_454 : i32
      %add3A_456 = arith.addi %mul3A_2, %mul3A_455 : i32
      %dma_wait3A_457 = arith.constant 0 : i32
      %dma_wait3A_458 = tpu.memref_slice %arg4[%add3A_456, %dma_wait3A_457] : memref<819200x64xf32, #tpu.memory_space<hbm>> -> memref<128x64xf32, #tpu.memory_space<hbm>>
      %dma_wait3A_459 = arith.constant 0 : i32
      %dma_wait3A_460 = tpu.memref_slice %arg4[%add3A_456, %dma_wait3A_459] : memref<819200x64xf32, #tpu.memory_space<hbm>> -> memref<128x64xf32, #tpu.memory_space<hbm>>
      tpu.wait_dma2 semaphore(%arg29 : memref<!tpu.dma_semaphore, #tpu.memory_space<semaphore_mem>>) src(%arg13 : memref<128x64xf32, #tpu.memory_space<vmem>>) dst(%dma_wait3A_460 : memref<128x64xf32, #tpu.memory_space<hbm>>)
      %add3A_461 = arith.constant 7 : i32
      %add3A_462 = arith.addi %mul3A_268, %add3A_461 : i32
      %mul3A_463 = arith.constant 1 : i32
      %mul3A_464 = arith.muli %add3A_462, %mul3A_463 : i32
      %add3A_465 = arith.constant 0 : i32
      %add3A_466 = arith.addi %mul3A_464, %add3A_465 : i32
      %dma_start3A_467 = arith.constant 0 : i32
      %dma_start3A_468 = arith.constant 0 : i32
      %dma_start3A_469 = tpu.memref_slice %arg13[%dma_start3A_467, %dma_start3A_468] : memref<128x64xf32, #tpu.memory_space<vmem>> -> memref<128x64xf32, #tpu.memory_space<vmem>>
      %dma_start3A_470 = arith.constant 0 : i32
      %dma_start3A_471 = tpu.memref_slice %arg5[%add3A_466, %dma_start3A_470] : memref<200x128xi32, #tpu.memory_space<vmem>> -> memref<1x128xi32, #tpu.memory_space<vmem>>
      %dma_start3A_472 = tpu.memref_squeeze %dma_start3A_471 : memref<1x128xi32, #tpu.memory_space<vmem>> -> memref<128xi32, #tpu.memory_space<vmem>>
      %dma_start3A_473 = arith.constant 0 : i32
      %dma_start3A_474 = arith.constant 0 : i32
      %dma_start3A_475 = tpu.memref_slice %arg3[%dma_start3A_473, %dma_start3A_474] : memref<1000000x64xf32, #tpu.memory_space<hbm>> -> memref<1000000x64xf32, #tpu.memory_space<hbm>>
      tpu.enqueue_indirect_dma source(%dma_start3A_475 : memref<1000000x64xf32, #tpu.memory_space<hbm>>) target(%dma_start3A_469 : memref<128x64xf32, #tpu.memory_space<vmem>>) offsets(%dma_start3A_472 : memref<128xi32, #tpu.memory_space<vmem>>) semaphore(%arg21 : memref<!tpu.dma_semaphore, #tpu.memory_space<semaphore_mem>>)
      %dma_wait3A_476 = arith.constant 0 : i32
      %dma_wait3A_477 = arith.constant 0 : i32
      %dma_wait3A_478 = tpu.memref_slice %arg6[%dma_wait3A_476, %dma_wait3A_477] : memref<128x64xf32, #tpu.memory_space<vmem>> -> memref<128x64xf32, #tpu.memory_space<vmem>>
      %dma_wait3A_479 = arith.constant 0 : i32
      %dma_wait3A_480 = tpu.memref_slice %arg5[%add3A_284, %dma_wait3A_479] : memref<200x128xi32, #tpu.memory_space<vmem>> -> memref<1x128xi32, #tpu.memory_space<vmem>>
      %dma_wait3A_481 = tpu.memref_squeeze %dma_wait3A_480 : memref<1x128xi32, #tpu.memory_space<vmem>> -> memref<128xi32, #tpu.memory_space<vmem>>
      %dma_wait3A_482 = arith.constant 0 : i32
      %dma_wait3A_483 = arith.constant 0 : i32
      %dma_wait3A_484 = tpu.memref_slice %arg3[%dma_wait3A_482, %dma_wait3A_483] : memref<1000000x64xf32, #tpu.memory_space<hbm>> -> memref<1000000x64xf32, #tpu.memory_space<hbm>>
      tpu.wait_indirect_dma semaphore(%arg14 : memref<!tpu.dma_semaphore, #tpu.memory_space<semaphore_mem>>) src(%dma_wait3A_484 : memref<1000000x64xf32, #tpu.memory_space<hbm>>) dst(%dma_wait3A_478 : memref<128x64xf32, #tpu.memory_space<vmem>>)
      %add3A_485 = arith.constant 0 : i32
      %add3A_486 = arith.addi %mul3A_268, %add3A_485 : i32
      %mul3A_487 = arith.constant 128 : i32
      %mul3A_488 = arith.muli %add3A_486, %mul3A_487 : i32
      %add3A_489 = arith.addi %mul3A_2, %mul3A_488 : i32
      %dma_start3A_490 = arith.constant 0 : i32
      %dma_start3A_491 = tpu.memref_slice %arg4[%add3A_489, %dma_start3A_490] : memref<819200x64xf32, #tpu.memory_space<hbm>> -> memref<128x64xf32, #tpu.memory_space<hbm>>
      %dma_start3A_492 = arith.constant 0 : i32
      %dma_start3A_493 = tpu.memref_slice %arg4[%add3A_489, %dma_start3A_492] : memref<819200x64xf32, #tpu.memory_space<hbm>> -> memref<128x64xf32, #tpu.memory_space<hbm>>
      tpu.enqueue_dma source(%arg6 : memref<128x64xf32, #tpu.memory_space<vmem>>) target(%dma_start3A_493 : memref<128x64xf32, #tpu.memory_space<hbm>>) target_semaphore(%arg22 : memref<!tpu.dma_semaphore, #tpu.memory_space<semaphore_mem>>)
      %dma_wait3A_494 = arith.constant 0 : i32
      %dma_wait3A_495 = arith.constant 0 : i32
      %dma_wait3A_496 = tpu.memref_slice %arg7[%dma_wait3A_494, %dma_wait3A_495] : memref<128x64xf32, #tpu.memory_space<vmem>> -> memref<128x64xf32, #tpu.memory_space<vmem>>
      %dma_wait3A_497 = arith.constant 0 : i32
      %dma_wait3A_498 = tpu.memref_slice %arg5[%add3A_310, %dma_wait3A_497] : memref<200x128xi32, #tpu.memory_space<vmem>> -> memref<1x128xi32, #tpu.memory_space<vmem>>
      %dma_wait3A_499 = tpu.memref_squeeze %dma_wait3A_498 : memref<1x128xi32, #tpu.memory_space<vmem>> -> memref<128xi32, #tpu.memory_space<vmem>>
      %dma_wait3A_500 = arith.constant 0 : i32
      %dma_wait3A_501 = arith.constant 0 : i32
      %dma_wait3A_502 = tpu.memref_slice %arg3[%dma_wait3A_500, %dma_wait3A_501] : memref<1000000x64xf32, #tpu.memory_space<hbm>> -> memref<1000000x64xf32, #tpu.memory_space<hbm>>
      tpu.wait_indirect_dma semaphore(%arg15 : memref<!tpu.dma_semaphore, #tpu.memory_space<semaphore_mem>>) src(%dma_wait3A_502 : memref<1000000x64xf32, #tpu.memory_space<hbm>>) dst(%dma_wait3A_496 : memref<128x64xf32, #tpu.memory_space<vmem>>)
      %add3A_503 = arith.constant 1 : i32
      %add3A_504 = arith.addi %mul3A_268, %add3A_503 : i32
      %mul3A_505 = arith.constant 128 : i32
      %mul3A_506 = arith.muli %add3A_504, %mul3A_505 : i32
      %add3A_507 = arith.addi %mul3A_2, %mul3A_506 : i32
      %dma_start3A_508 = arith.constant 0 : i32
      %dma_start3A_509 = tpu.memref_slice %arg4[%add3A_507, %dma_start3A_508] : memref<819200x64xf32, #tpu.memory_space<hbm>> -> memref<128x64xf32, #tpu.memory_space<hbm>>
      %dma_start3A_510 = arith.constant 0 : i32
      %dma_start3A_511 = tpu.memref_slice %arg4[%add3A_507, %dma_start3A_510] : memref<819200x64xf32, #tpu.memory_space<hbm>> -> memref<128x64xf32, #tpu.memory_space<hbm>>
      tpu.enqueue_dma source(%arg7 : memref<128x64xf32, #tpu.memory_space<vmem>>) target(%dma_start3A_511 : memref<128x64xf32, #tpu.memory_space<hbm>>) target_semaphore(%arg23 : memref<!tpu.dma_semaphore, #tpu.memory_space<semaphore_mem>>)
      %dma_wait3A_512 = arith.constant 0 : i32
      %dma_wait3A_513 = arith.constant 0 : i32
      %dma_wait3A_514 = tpu.memref_slice %arg8[%dma_wait3A_512, %dma_wait3A_513] : memref<128x64xf32, #tpu.memory_space<vmem>> -> memref<128x64xf32, #tpu.memory_space<vmem>>
      %dma_wait3A_515 = arith.constant 0 : i32
      %dma_wait3A_516 = tpu.memref_slice %arg5[%add3A_336, %dma_wait3A_515] : memref<200x128xi32, #tpu.memory_space<vmem>> -> memref<1x128xi32, #tpu.memory_space<vmem>>
      %dma_wait3A_517 = tpu.memref_squeeze %dma_wait3A_516 : memref<1x128xi32, #tpu.memory_space<vmem>> -> memref<128xi32, #tpu.memory_space<vmem>>
      %dma_wait3A_518 = arith.constant 0 : i32
      %dma_wait3A_519 = arith.constant 0 : i32
      %dma_wait3A_520 = tpu.memref_slice %arg3[%dma_wait3A_518, %dma_wait3A_519] : memref<1000000x64xf32, #tpu.memory_space<hbm>> -> memref<1000000x64xf32, #tpu.memory_space<hbm>>
      tpu.wait_indirect_dma semaphore(%arg16 : memref<!tpu.dma_semaphore, #tpu.memory_space<semaphore_mem>>) src(%dma_wait3A_520 : memref<1000000x64xf32, #tpu.memory_space<hbm>>) dst(%dma_wait3A_514 : memref<128x64xf32, #tpu.memory_space<vmem>>)
      %add3A_521 = arith.constant 2 : i32
      %add3A_522 = arith.addi %mul3A_268, %add3A_521 : i32
      %mul3A_523 = arith.constant 128 : i32
      %mul3A_524 = arith.muli %add3A_522, %mul3A_523 : i32
      %add3A_525 = arith.addi %mul3A_2, %mul3A_524 : i32
      %dma_start3A_526 = arith.constant 0 : i32
      %dma_start3A_527 = tpu.memref_slice %arg4[%add3A_525, %dma_start3A_526] : memref<819200x64xf32, #tpu.memory_space<hbm>> -> memref<128x64xf32, #tpu.memory_space<hbm>>
      %dma_start3A_528 = arith.constant 0 : i32
      %dma_start3A_529 = tpu.memref_slice %arg4[%add3A_525, %dma_start3A_528] : memref<819200x64xf32, #tpu.memory_space<hbm>> -> memref<128x64xf32, #tpu.memory_space<hbm>>
      tpu.enqueue_dma source(%arg8 : memref<128x64xf32, #tpu.memory_space<vmem>>) target(%dma_start3A_529 : memref<128x64xf32, #tpu.memory_space<hbm>>) target_semaphore(%arg24 : memref<!tpu.dma_semaphore, #tpu.memory_space<semaphore_mem>>)
      %dma_wait3A_530 = arith.constant 0 : i32
      %dma_wait3A_531 = arith.constant 0 : i32
      %dma_wait3A_532 = tpu.memref_slice %arg9[%dma_wait3A_530, %dma_wait3A_531] : memref<128x64xf32, #tpu.memory_space<vmem>> -> memref<128x64xf32, #tpu.memory_space<vmem>>
      %dma_wait3A_533 = arith.constant 0 : i32
      %dma_wait3A_534 = tpu.memref_slice %arg5[%add3A_362, %dma_wait3A_533] : memref<200x128xi32, #tpu.memory_space<vmem>> -> memref<1x128xi32, #tpu.memory_space<vmem>>
      %dma_wait3A_535 = tpu.memref_squeeze %dma_wait3A_534 : memref<1x128xi32, #tpu.memory_space<vmem>> -> memref<128xi32, #tpu.memory_space<vmem>>
      %dma_wait3A_536 = arith.constant 0 : i32
      %dma_wait3A_537 = arith.constant 0 : i32
      %dma_wait3A_538 = tpu.memref_slice %arg3[%dma_wait3A_536, %dma_wait3A_537] : memref<1000000x64xf32, #tpu.memory_space<hbm>> -> memref<1000000x64xf32, #tpu.memory_space<hbm>>
      tpu.wait_indirect_dma semaphore(%arg17 : memref<!tpu.dma_semaphore, #tpu.memory_space<semaphore_mem>>) src(%dma_wait3A_538 : memref<1000000x64xf32, #tpu.memory_space<hbm>>) dst(%dma_wait3A_532 : memref<128x64xf32, #tpu.memory_space<vmem>>)
      %add3A_539 = arith.constant 3 : i32
      %add3A_540 = arith.addi %mul3A_268, %add3A_539 : i32
      %mul3A_541 = arith.constant 128 : i32
      %mul3A_542 = arith.muli %add3A_540, %mul3A_541 : i32
      %add3A_543 = arith.addi %mul3A_2, %mul3A_542 : i32
      %dma_start3A_544 = arith.constant 0 : i32
      %dma_start3A_545 = tpu.memref_slice %arg4[%add3A_543, %dma_start3A_544] : memref<819200x64xf32, #tpu.memory_space<hbm>> -> memref<128x64xf32, #tpu.memory_space<hbm>>
      %dma_start3A_546 = arith.constant 0 : i32
      %dma_start3A_547 = tpu.memref_slice %arg4[%add3A_543, %dma_start3A_546] : memref<819200x64xf32, #tpu.memory_space<hbm>> -> memref<128x64xf32, #tpu.memory_space<hbm>>
      tpu.enqueue_dma source(%arg9 : memref<128x64xf32, #tpu.memory_space<vmem>>) target(%dma_start3A_547 : memref<128x64xf32, #tpu.memory_space<hbm>>) target_semaphore(%arg25 : memref<!tpu.dma_semaphore, #tpu.memory_space<semaphore_mem>>)
      %dma_wait3A_548 = arith.constant 0 : i32
      %dma_wait3A_549 = arith.constant 0 : i32
      %dma_wait3A_550 = tpu.memref_slice %arg10[%dma_wait3A_548, %dma_wait3A_549] : memref<128x64xf32, #tpu.memory_space<vmem>> -> memref<128x64xf32, #tpu.memory_space<vmem>>
      %dma_wait3A_551 = arith.constant 0 : i32
      %dma_wait3A_552 = tpu.memref_slice %arg5[%add3A_388, %dma_wait3A_551] : memref<200x128xi32, #tpu.memory_space<vmem>> -> memref<1x128xi32, #tpu.memory_space<vmem>>
      %dma_wait3A_553 = tpu.memref_squeeze %dma_wait3A_552 : memref<1x128xi32, #tpu.memory_space<vmem>> -> memref<128xi32, #tpu.memory_space<vmem>>
      %dma_wait3A_554 = arith.constant 0 : i32
      %dma_wait3A_555 = arith.constant 0 : i32
      %dma_wait3A_556 = tpu.memref_slice %arg3[%dma_wait3A_554, %dma_wait3A_555] : memref<1000000x64xf32, #tpu.memory_space<hbm>> -> memref<1000000x64xf32, #tpu.memory_space<hbm>>
      tpu.wait_indirect_dma semaphore(%arg18 : memref<!tpu.dma_semaphore, #tpu.memory_space<semaphore_mem>>) src(%dma_wait3A_556 : memref<1000000x64xf32, #tpu.memory_space<hbm>>) dst(%dma_wait3A_550 : memref<128x64xf32, #tpu.memory_space<vmem>>)
      %add3A_557 = arith.constant 4 : i32
      %add3A_558 = arith.addi %mul3A_268, %add3A_557 : i32
      %mul3A_559 = arith.constant 128 : i32
      %mul3A_560 = arith.muli %add3A_558, %mul3A_559 : i32
      %add3A_561 = arith.addi %mul3A_2, %mul3A_560 : i32
      %dma_start3A_562 = arith.constant 0 : i32
      %dma_start3A_563 = tpu.memref_slice %arg4[%add3A_561, %dma_start3A_562] : memref<819200x64xf32, #tpu.memory_space<hbm>> -> memref<128x64xf32, #tpu.memory_space<hbm>>
      %dma_start3A_564 = arith.constant 0 : i32
      %dma_start3A_565 = tpu.memref_slice %arg4[%add3A_561, %dma_start3A_564] : memref<819200x64xf32, #tpu.memory_space<hbm>> -> memref<128x64xf32, #tpu.memory_space<hbm>>
      tpu.enqueue_dma source(%arg10 : memref<128x64xf32, #tpu.memory_space<vmem>>) target(%dma_start3A_565 : memref<128x64xf32, #tpu.memory_space<hbm>>) target_semaphore(%arg26 : memref<!tpu.dma_semaphore, #tpu.memory_space<semaphore_mem>>)
      %dma_wait3A_566 = arith.constant 0 : i32
      %dma_wait3A_567 = arith.constant 0 : i32
      %dma_wait3A_568 = tpu.memref_slice %arg11[%dma_wait3A_566, %dma_wait3A_567] : memref<128x64xf32, #tpu.memory_space<vmem>> -> memref<128x64xf32, #tpu.memory_space<vmem>>
      %dma_wait3A_569 = arith.constant 0 : i32
      %dma_wait3A_570 = tpu.memref_slice %arg5[%add3A_414, %dma_wait3A_569] : memref<200x128xi32, #tpu.memory_space<vmem>> -> memref<1x128xi32, #tpu.memory_space<vmem>>
      %dma_wait3A_571 = tpu.memref_squeeze %dma_wait3A_570 : memref<1x128xi32, #tpu.memory_space<vmem>> -> memref<128xi32, #tpu.memory_space<vmem>>
      %dma_wait3A_572 = arith.constant 0 : i32
      %dma_wait3A_573 = arith.constant 0 : i32
      %dma_wait3A_574 = tpu.memref_slice %arg3[%dma_wait3A_572, %dma_wait3A_573] : memref<1000000x64xf32, #tpu.memory_space<hbm>> -> memref<1000000x64xf32, #tpu.memory_space<hbm>>
      tpu.wait_indirect_dma semaphore(%arg19 : memref<!tpu.dma_semaphore, #tpu.memory_space<semaphore_mem>>) src(%dma_wait3A_574 : memref<1000000x64xf32, #tpu.memory_space<hbm>>) dst(%dma_wait3A_568 : memref<128x64xf32, #tpu.memory_space<vmem>>)
      %add3A_575 = arith.constant 5 : i32
      %add3A_576 = arith.addi %mul3A_268, %add3A_575 : i32
      %mul3A_577 = arith.constant 128 : i32
      %mul3A_578 = arith.muli %add3A_576, %mul3A_577 : i32
      %add3A_579 = arith.addi %mul3A_2, %mul3A_578 : i32
      %dma_start3A_580 = arith.constant 0 : i32
      %dma_start3A_581 = tpu.memref_slice %arg4[%add3A_579, %dma_start3A_580] : memref<819200x64xf32, #tpu.memory_space<hbm>> -> memref<128x64xf32, #tpu.memory_space<hbm>>
      %dma_start3A_582 = arith.constant 0 : i32
      %dma_start3A_583 = tpu.memref_slice %arg4[%add3A_579, %dma_start3A_582] : memref<819200x64xf32, #tpu.memory_space<hbm>> -> memref<128x64xf32, #tpu.memory_space<hbm>>
      tpu.enqueue_dma source(%arg11 : memref<128x64xf32, #tpu.memory_space<vmem>>) target(%dma_start3A_583 : memref<128x64xf32, #tpu.memory_space<hbm>>) target_semaphore(%arg27 : memref<!tpu.dma_semaphore, #tpu.memory_space<semaphore_mem>>)
      %dma_wait3A_584 = arith.constant 0 : i32
      %dma_wait3A_585 = arith.constant 0 : i32
      %dma_wait3A_586 = tpu.memref_slice %arg12[%dma_wait3A_584, %dma_wait3A_585] : memref<128x64xf32, #tpu.memory_space<vmem>> -> memref<128x64xf32, #tpu.memory_space<vmem>>
      %dma_wait3A_587 = arith.constant 0 : i32
      %dma_wait3A_588 = tpu.memref_slice %arg5[%add3A_440, %dma_wait3A_587] : memref<200x128xi32, #tpu.memory_space<vmem>> -> memref<1x128xi32, #tpu.memory_space<vmem>>
      %dma_wait3A_589 = tpu.memref_squeeze %dma_wait3A_588 : memref<1x128xi32, #tpu.memory_space<vmem>> -> memref<128xi32, #tpu.memory_space<vmem>>
      %dma_wait3A_590 = arith.constant 0 : i32
      %dma_wait3A_591 = arith.constant 0 : i32
      %dma_wait3A_592 = tpu.memref_slice %arg3[%dma_wait3A_590, %dma_wait3A_591] : memref<1000000x64xf32, #tpu.memory_space<hbm>> -> memref<1000000x64xf32, #tpu.memory_space<hbm>>
      tpu.wait_indirect_dma semaphore(%arg20 : memref<!tpu.dma_semaphore, #tpu.memory_space<semaphore_mem>>) src(%dma_wait3A_592 : memref<1000000x64xf32, #tpu.memory_space<hbm>>) dst(%dma_wait3A_586 : memref<128x64xf32, #tpu.memory_space<vmem>>)
      %add3A_593 = arith.constant 6 : i32
      %add3A_594 = arith.addi %mul3A_268, %add3A_593 : i32
      %mul3A_595 = arith.constant 128 : i32
      %mul3A_596 = arith.muli %add3A_594, %mul3A_595 : i32
      %add3A_597 = arith.addi %mul3A_2, %mul3A_596 : i32
      %dma_start3A_598 = arith.constant 0 : i32
      %dma_start3A_599 = tpu.memref_slice %arg4[%add3A_597, %dma_start3A_598] : memref<819200x64xf32, #tpu.memory_space<hbm>> -> memref<128x64xf32, #tpu.memory_space<hbm>>
      %dma_start3A_600 = arith.constant 0 : i32
      %dma_start3A_601 = tpu.memref_slice %arg4[%add3A_597, %dma_start3A_600] : memref<819200x64xf32, #tpu.memory_space<hbm>> -> memref<128x64xf32, #tpu.memory_space<hbm>>
      tpu.enqueue_dma source(%arg12 : memref<128x64xf32, #tpu.memory_space<vmem>>) target(%dma_start3A_601 : memref<128x64xf32, #tpu.memory_space<hbm>>) target_semaphore(%arg28 : memref<!tpu.dma_semaphore, #tpu.memory_space<semaphore_mem>>)
      %dma_wait3A_602 = arith.constant 0 : i32
      %dma_wait3A_603 = arith.constant 0 : i32
      %dma_wait3A_604 = tpu.memref_slice %arg13[%dma_wait3A_602, %dma_wait3A_603] : memref<128x64xf32, #tpu.memory_space<vmem>> -> memref<128x64xf32, #tpu.memory_space<vmem>>
      %dma_wait3A_605 = arith.constant 0 : i32
      %dma_wait3A_606 = tpu.memref_slice %arg5[%add3A_466, %dma_wait3A_605] : memref<200x128xi32, #tpu.memory_space<vmem>> -> memref<1x128xi32, #tpu.memory_space<vmem>>
      %dma_wait3A_607 = tpu.memref_squeeze %dma_wait3A_606 : memref<1x128xi32, #tpu.memory_space<vmem>> -> memref<128xi32, #tpu.memory_space<vmem>>
      %dma_wait3A_608 = arith.constant 0 : i32
      %dma_wait3A_609 = arith.constant 0 : i32
      %dma_wait3A_610 = tpu.memref_slice %arg3[%dma_wait3A_608, %dma_wait3A_609] : memref<1000000x64xf32, #tpu.memory_space<hbm>> -> memref<1000000x64xf32, #tpu.memory_space<hbm>>
      tpu.wait_indirect_dma semaphore(%arg21 : memref<!tpu.dma_semaphore, #tpu.memory_space<semaphore_mem>>) src(%dma_wait3A_610 : memref<1000000x64xf32, #tpu.memory_space<hbm>>) dst(%dma_wait3A_604 : memref<128x64xf32, #tpu.memory_space<vmem>>)
      %add3A_611 = arith.constant 7 : i32
      %add3A_612 = arith.addi %mul3A_268, %add3A_611 : i32
      %mul3A_613 = arith.constant 128 : i32
      %mul3A_614 = arith.muli %add3A_612, %mul3A_613 : i32
      %add3A_615 = arith.addi %mul3A_2, %mul3A_614 : i32
      %dma_start3A_616 = arith.constant 0 : i32
      %dma_start3A_617 = tpu.memref_slice %arg4[%add3A_615, %dma_start3A_616] : memref<819200x64xf32, #tpu.memory_space<hbm>> -> memref<128x64xf32, #tpu.memory_space<hbm>>
      %dma_start3A_618 = arith.constant 0 : i32
      %dma_start3A_619 = tpu.memref_slice %arg4[%add3A_615, %dma_start3A_618] : memref<819200x64xf32, #tpu.memory_space<hbm>> -> memref<128x64xf32, #tpu.memory_space<hbm>>
      tpu.enqueue_dma source(%arg13 : memref<128x64xf32, #tpu.memory_space<vmem>>) target(%dma_start3A_619 : memref<128x64xf32, #tpu.memory_space<hbm>>) target_semaphore(%arg29 : memref<!tpu.dma_semaphore, #tpu.memory_space<semaphore_mem>>)
      %scan3A_620 = arith.constant 0 : i32
      scf.yield %scan3A_620 : i32
    }
    %scan3A_216 = arith.constant 24 : i32
    %add3A_217 = arith.constant 24576 : i32
    %add3A_218 = arith.addi %mul3A_2, %add3A_217 : i32
    %dma_wait3A_219 = arith.constant 0 : i32
    %dma_wait3A_220 = tpu.memref_slice %arg4[%add3A_218, %dma_wait3A_219] : memref<819200x64xf32, #tpu.memory_space<hbm>> -> memref<128x64xf32, #tpu.memory_space<hbm>>
    %dma_wait3A_221 = arith.constant 0 : i32
    %dma_wait3A_222 = tpu.memref_slice %arg4[%add3A_218, %dma_wait3A_221] : memref<819200x64xf32, #tpu.memory_space<hbm>> -> memref<128x64xf32, #tpu.memory_space<hbm>>
    tpu.wait_dma2 semaphore(%arg22 : memref<!tpu.dma_semaphore, #tpu.memory_space<semaphore_mem>>) src(%arg6 : memref<128x64xf32, #tpu.memory_space<vmem>>) dst(%dma_wait3A_222 : memref<128x64xf32, #tpu.memory_space<hbm>>)
    %add3A_223 = arith.constant 24704 : i32
    %add3A_224 = arith.addi %mul3A_2, %add3A_223 : i32
    %dma_wait3A_225 = arith.constant 0 : i32
    %dma_wait3A_226 = tpu.memref_slice %arg4[%add3A_224, %dma_wait3A_225] : memref<819200x64xf32, #tpu.memory_space<hbm>> -> memref<128x64xf32, #tpu.memory_space<hbm>>
    %dma_wait3A_227 = arith.constant 0 : i32
    %dma_wait3A_228 = tpu.memref_slice %arg4[%add3A_224, %dma_wait3A_227] : memref<819200x64xf32, #tpu.memory_space<hbm>> -> memref<128x64xf32, #tpu.memory_space<hbm>>
    tpu.wait_dma2 semaphore(%arg23 : memref<!tpu.dma_semaphore, #tpu.memory_space<semaphore_mem>>) src(%arg7 : memref<128x64xf32, #tpu.memory_space<vmem>>) dst(%dma_wait3A_228 : memref<128x64xf32, #tpu.memory_space<hbm>>)
    %add3A_229 = arith.constant 24832 : i32
    %add3A_230 = arith.addi %mul3A_2, %add3A_229 : i32
    %dma_wait3A_231 = arith.constant 0 : i32
    %dma_wait3A_232 = tpu.memref_slice %arg4[%add3A_230, %dma_wait3A_231] : memref<819200x64xf32, #tpu.memory_space<hbm>> -> memref<128x64xf32, #tpu.memory_space<hbm>>
    %dma_wait3A_233 = arith.constant 0 : i32
    %dma_wait3A_234 = tpu.memref_slice %arg4[%add3A_230, %dma_wait3A_233] : memref<819200x64xf32, #tpu.memory_space<hbm>> -> memref<128x64xf32, #tpu.memory_space<hbm>>
    tpu.wait_dma2 semaphore(%arg24 : memref<!tpu.dma_semaphore, #tpu.memory_space<semaphore_mem>>) src(%arg8 : memref<128x64xf32, #tpu.memory_space<vmem>>) dst(%dma_wait3A_234 : memref<128x64xf32, #tpu.memory_space<hbm>>)
    %add3A_235 = arith.constant 24960 : i32
    %add3A_236 = arith.addi %mul3A_2, %add3A_235 : i32
    %dma_wait3A_237 = arith.constant 0 : i32
    %dma_wait3A_238 = tpu.memref_slice %arg4[%add3A_236, %dma_wait3A_237] : memref<819200x64xf32, #tpu.memory_space<hbm>> -> memref<128x64xf32, #tpu.memory_space<hbm>>
    %dma_wait3A_239 = arith.constant 0 : i32
    %dma_wait3A_240 = tpu.memref_slice %arg4[%add3A_236, %dma_wait3A_239] : memref<819200x64xf32, #tpu.memory_space<hbm>> -> memref<128x64xf32, #tpu.memory_space<hbm>>
    tpu.wait_dma2 semaphore(%arg25 : memref<!tpu.dma_semaphore, #tpu.memory_space<semaphore_mem>>) src(%arg9 : memref<128x64xf32, #tpu.memory_space<vmem>>) dst(%dma_wait3A_240 : memref<128x64xf32, #tpu.memory_space<hbm>>)
    %add3A_241 = arith.constant 25088 : i32
    %add3A_242 = arith.addi %mul3A_2, %add3A_241 : i32
    %dma_wait3A_243 = arith.constant 0 : i32
    %dma_wait3A_244 = tpu.memref_slice %arg4[%add3A_242, %dma_wait3A_243] : memref<819200x64xf32, #tpu.memory_space<hbm>> -> memref<128x64xf32, #tpu.memory_space<hbm>>
    %dma_wait3A_245 = arith.constant 0 : i32
    %dma_wait3A_246 = tpu.memref_slice %arg4[%add3A_242, %dma_wait3A_245] : memref<819200x64xf32, #tpu.memory_space<hbm>> -> memref<128x64xf32, #tpu.memory_space<hbm>>
    tpu.wait_dma2 semaphore(%arg26 : memref<!tpu.dma_semaphore, #tpu.memory_space<semaphore_mem>>) src(%arg10 : memref<128x64xf32, #tpu.memory_space<vmem>>) dst(%dma_wait3A_246 : memref<128x64xf32, #tpu.memory_space<hbm>>)
    %add3A_247 = arith.constant 25216 : i32
    %add3A_248 = arith.addi %mul3A_2, %add3A_247 : i32
    %dma_wait3A_249 = arith.constant 0 : i32
    %dma_wait3A_250 = tpu.memref_slice %arg4[%add3A_248, %dma_wait3A_249] : memref<819200x64xf32, #tpu.memory_space<hbm>> -> memref<128x64xf32, #tpu.memory_space<hbm>>
    %dma_wait3A_251 = arith.constant 0 : i32
    %dma_wait3A_252 = tpu.memref_slice %arg4[%add3A_248, %dma_wait3A_251] : memref<819200x64xf32, #tpu.memory_space<hbm>> -> memref<128x64xf32, #tpu.memory_space<hbm>>
    tpu.wait_dma2 semaphore(%arg27 : memref<!tpu.dma_semaphore, #tpu.memory_space<semaphore_mem>>) src(%arg11 : memref<128x64xf32, #tpu.memory_space<vmem>>) dst(%dma_wait3A_252 : memref<128x64xf32, #tpu.memory_space<hbm>>)
    %add3A_253 = arith.constant 25344 : i32
    %add3A_254 = arith.addi %mul3A_2, %add3A_253 : i32
    %dma_wait3A_255 = arith.constant 0 : i32
    %dma_wait3A_256 = tpu.memref_slice %arg4[%add3A_254, %dma_wait3A_255] : memref<819200x64xf32, #tpu.memory_space<hbm>> -> memref<128x64xf32, #tpu.memory_space<hbm>>
    %dma_wait3A_257 = arith.constant 0 : i32
    %dma_wait3A_258 = tpu.memref_slice %arg4[%add3A_254, %dma_wait3A_257] : memref<819200x64xf32, #tpu.memory_space<hbm>> -> memref<128x64xf32, #tpu.memory_space<hbm>>
    tpu.wait_dma2 semaphore(%arg28 : memref<!tpu.dma_semaphore, #tpu.memory_space<semaphore_mem>>) src(%arg12 : memref<128x64xf32, #tpu.memory_space<vmem>>) dst(%dma_wait3A_258 : memref<128x64xf32, #tpu.memory_space<hbm>>)
    %add3A_259 = arith.constant 25472 : i32
    %add3A_260 = arith.addi %mul3A_2, %add3A_259 : i32
    %dma_wait3A_261 = arith.constant 0 : i32
    %dma_wait3A_262 = tpu.memref_slice %arg4[%add3A_260, %dma_wait3A_261] : memref<819200x64xf32, #tpu.memory_space<hbm>> -> memref<128x64xf32, #tpu.memory_space<hbm>>
    %dma_wait3A_263 = arith.constant 0 : i32
    %dma_wait3A_264 = tpu.memref_slice %arg4[%add3A_260, %dma_wait3A_263] : memref<819200x64xf32, #tpu.memory_space<hbm>> -> memref<128x64xf32, #tpu.memory_space<hbm>>
    tpu.wait_dma2 semaphore(%arg29 : memref<!tpu.dma_semaphore, #tpu.memory_space<semaphore_mem>>) src(%arg13 : memref<128x64xf32, #tpu.memory_space<vmem>>) dst(%dma_wait3A_264 : memref<128x64xf32, #tpu.memory_space<hbm>>)
    return
  }
}

</mosaic_0001>

<sc_bundles>
// kernel: kernel.3.cloned.1.call-start
scs
__scs_entry_jumppad:
0x0: {  	(pc) =	sbr.rel $0x88, $3  }
0x1: {  	(tag) =	ssettag $0x0;
	lr =	simm.s32 $0x1  }
0x2: {  	[smem:$0x3F9F] =	sst lr;
	_ =	strace $0xD0000000  }
0x3: {  	_ = 	snop  }
0x4: {  	_ = 	snop  }
0x5: {  	_ = 	snop  }
0x6: {  	_ = 	snop  }
0x7: {  	_ = 	snop  }
__scs_overlays_trampoline_lowered:
0x8: {  	[smem:$0x3FAE] =	sst s0  }
0x9: {  	[smem:$0x3FAF] =	sst s1  }
0xa: {  	[smem:$0x3FB0] =	sst s2  }
0xb: {  	[smem:$0x3FB1] =	sst s3  }
0xc: {  	[smem:$0x3FB2] =	sst s4  }
0xd: {  	[smem:$0x3FB3] =	sst s5  }
0xe: {  	[smem:$0x3FB4] =	sst s6  }
0xf: {  	[smem:$0x3FB5] =	sst s7  }
0x10: {  	[smem:$0x3FB6] =	sst s8  }
0x11: {  	[smem:$0x3FB7] =	sst s9;
	s0 =	simm.s32 @!p0 $0x0  }
0x12: {  	s1 =	sld [smem:$0x3F9D];
	s0 =	simm.s32 @p0 $0x1  }
0x13: {  	[smem:$0x3FB8] =	sst s0;
	s0 =	simm.s32 @!p1 $0x0  }
0x14: {  	s2 =	sld [smem:$0x3F9C];
	s0 =	simm.s32 @p1 $0x1  }
0x15: {  	[smem:$0x3FB9] =	sst s0;
	s0 =	simm.s32 @!p2 $0x0  }
0x16: {  	s3 =	sld [smem:$0x3FDB];
	s0 =	simm.s32 @p2 $0x1  }
0x17: {  	s4 =	simm.s32 $0x1BF5;
	[smem:$0x3FBB] =	sst s0  }
0x18: {  	s0 =	sld [smem:$0x3F9E];
	_ =	swait.ge [sflag:s4], $0x0  }
0x19: {  	s7 =	sld [smem:$0x3F9F]  }
0x1a: {  	s8 =	sadd.s32 $0xFFFFE003, lr  }
0x1b: {  	s9 =	sadd.s32 $0xFFFFFEF7, lr;
	s5 =	simm.s32 $0xFFFFFFFF;
	p2 =	slt.u32 s8, $0xFFFFF086  }
0x1c: {  	p1 =	slt.u32 s9, $0xF7A;
	s5 =	simm.s32 @!p2 $0x0  }
0x1d: {  	s5 =	simm.s32 @p1 $0x1;
	p0 =	seq.s32 s7, s2  }
0x1e: {  	s7 =	smul.u32 @!p0 $0xF7A, s2;
	p2 =	seq.s32 @!p0 s5, $0x0  }
0x1f: {  	s9 =	smul.u32 $0xF7A, s1;
	s8 =	simm.s32 @!p0 $0x1BF5;
	p2 =	por !p2, p0  }
0x20: {  	[sflag:s8] =	ssyncset.s32 @!p0 $0xFFFFF086;
	s6 =	sadd.s32 @!p0 s3, s7;
	s7 =	simm.s32 @!p0 $0x108  }
0x21: {  	s3 =	sadd.s32 s3, s9;
	s6 =	sadd.s32 @!p0 $0x88, s6;
	s7 =	simm.s32 @p2 $0x1082  }
0x22: {  	[simem:s7], [sflag:s8] =	dma.local @!p0 [hbm:s6], $0xF7A  }
0x23: {  	s9 =	sor.u32 $0xD0000000, s2;
	s6 =	simm.s32 $0x108;
	_ =	swait.ge @!p0 [sflag:s8], $0x0  }
0x24: {  	s3 =	sadd.s32 $0x88, s3;
	s6 =	simm.s32 @!p1 $0x1082;
	[sflag:s4] =	ssyncset.s32 $0xFFFFF086  }
0x25: {  	[simem:s6], [sflag:s4] =	dma.local [hbm:s3], $0xF7A  }
0x26: {  	[smem:$0x3F9F] =	sst s1;
	(tag) =	ssettag s2;
	_ =	strace s9  }
0x27: {  	s1 =	sld [smem:$0x3FAF]  }
0x28: {  	s2 =	sld [smem:$0x3FB0]  }
0x29: {  	s4 =	sld [smem:$0x3FB2]  }
0x2a: {  	p0 =	seq.s32 s5, $0x0;
	s5 =	sld [smem:$0x3FB3]  }
0x2b: {  	s6 =	sld [smem:$0x3FB4]  }
0x2c: {  	s7 =	sld [smem:$0x3FB5]  }
0x2d: {  	s3 =	simm.s32 $0x108;
	s8 =	sld [smem:$0x3FB6]  }
0x2e: {  	s3 =	simm.s32 @!p0 $0x1082;
	s9 =	sld [smem:$0x3FB7]  }
0x2f: {  	lr =	sadd.s32 s0, s3;
	s0 =	sld [smem:$0x3FAE]  }
0x30: {  	s3 =	sld [smem:$0x3FB1]  }
0x31: {  	[smem:$0x3FBA] =	sst s10  }
0x32: {  	s10 =	sld [smem:$0x3FB8];
	_ =	sdelay $0x3  }
0x33: {  	p0 =	seq.s32 s10, $0x1;
	s10 =	sld [smem:$0x3FBA];
	_ =	sdelay $0x3  }
0x34: {  	[smem:$0x3FBA] =	sst s10  }
0x35: {  	s10 =	sld [smem:$0x3FB9];
	_ =	sdelay $0x3  }
0x36: {  	p1 =	seq.s32 s10, $0x1;
	s10 =	sld [smem:$0x3FBA];
	_ =	sdelay $0x3  }
0x37: {  	[smem:$0x3FBA] =	sst s10  }
0x38: {  	s10 =	sld [smem:$0x3FBB]  }
0x39: {  	_ = 	snop;
	(pc) =	sbr.ind lr, $3  }
0x3a: {  	_ = 	snop  }
0x3b: {  	_ = 	snop  }
0x3c: {  	p2 =	seq.s32 s10, $0x1;
	s10 =	sld [smem:$0x3FBA]  }
0x3d: {  	_ =	shalt  }
0x3e: {  	_ =	shalt  }
0x3f: {  	_ =	shalt  }
0x40: {  	_ =	shalt  }
0x41: {  	_ =	shalt  }
0x42: {  	_ =	shalt  }
0x43: {  	_ =	shalt  }
0x44: {  	_ =	shalt  }
0x45: {  	_ =	shalt  }
0x46: {  	_ =	shalt  }
0x47: {  	_ =	shalt  }
0x48: {  	_ =	shalt  }
0x49: {  	_ =	shalt  }
0x4a: {  	_ =	shalt  }
0x4b: {  	_ =	shalt  }
0x4c: {  	_ =	shalt  }
0x4d: {  	_ =	shalt  }
0x4e: {  	_ =	shalt  }
0x4f: {  	_ =	shalt  }
0x50: {  	_ =	shalt  }
0x51: {  	_ =	shalt  }
0x52: {  	_ =	shalt  }
0x53: {  	_ =	shalt  }
0x54: {  	_ =	shalt  }
0x55: {  	_ =	shalt  }
0x56: {  	_ =	shalt  }
0x57: {  	_ =	shalt  }
0x58: {  	_ =	shalt  }
0x59: {  	_ =	shalt  }
0x5a: {  	_ =	shalt  }
0x5b: {  	_ =	shalt  }
0x5c: {  	_ =	shalt  }
0x5d: {  	_ =	shalt  }
0x5e: {  	_ =	shalt  }
0x5f: {  	_ =	shalt  }
0x60: {  	_ =	shalt  }
0x61: {  	_ =	shalt  }
0x62: {  	_ =	shalt  }
0x63: {  	_ =	shalt  }
0x64: {  	_ =	shalt  }
0x65: {  	_ =	shalt  }
0x66: {  	_ =	shalt  }
0x67: {  	_ =	shalt  }
0x68: {  	_ =	shalt  }
0x69: {  	_ =	shalt  }
0x6a: {  	_ =	shalt  }
0x6b: {  	_ =	shalt  }
0x6c: {  	_ =	shalt  }
0x6d: {  	_ =	shalt  }
0x6e: {  	_ =	shalt  }
0x6f: {  	_ =	shalt  }
0x70: {  	_ =	shalt  }
0x71: {  	_ =	shalt  }
0x72: {  	_ =	shalt  }
0x73: {  	_ =	shalt  }
0x74: {  	_ =	shalt  }
0x75: {  	_ =	shalt  }
0x76: {  	_ =	shalt  }
0x77: {  	_ =	shalt  }
0x78: {  	_ =	shalt  }
0x79: {  	_ =	shalt  }
0x7a: {  	_ =	shalt  }
0x7b: {  	_ =	shalt  }
0x7c: {  	_ =	shalt  }
0x7d: {  	_ =	shalt  }
0x7e: {  	_ =	shalt  }
0x7f: {  	_ =	shalt  }
0x80: {  	_ =	shalt  }
0x81: {  	_ =	shalt  }
0x82: {  	_ =	shalt  }
0x83: {  	_ =	shalt  }
0x84: {  	_ =	shalt  }
0x85: {  	_ =	shalt  }
0x86: {  	_ =	shalt  }
0x87: {  	_ =	shalt  }
.Lfunc_end0:
.L_simem_size_0:
called_computation.1_lowered:
.L_overlay_start_0:
0x88: {  	s2 =	sld [smem:$0x3FD9]  }
0x89: {  	s3 =	sld [smem:$0x3FFE];
	_ =	sdelay $0x1  }
0x8a: {  	s1 =	srdreg.scid  }
0x8b: {  	s0 =	sand.u32 $0x1, s1  }
0x8c: {  	s17 =	sshll.u32 s0, $0xA;
	s2 =	sadd.s32 s3, s2  }
0x8d: {  	s2 =	sadd.s32 s2, s17  }
0x8e: {  	[smem:$0x3FC6] =	sst s2  }
0x8f: {  	_ = 	snop  }
0x90: {  	s2 =	sld [smem:$0x3FD0];
	(tm) =	ssettm $0x1  }
0x91: {  	s18 =	sld [smem:$0x3FFB];
	_ =	sdelay $0x3  }
0x92: {  	_ =	strace s18  }
0x93: {  	s3 =	sld [smem:$0x3FFC];
	_ =	sdelay $0x3  }
0x94: {  	_ =	strace s3  }
0x95: {  	s3 =	sld [smem:$0x3FFD];
	_ =	sdelay $0x3  }
0x96: {  	_ =	strace s3  }
0x97: {  	_ =	strace $0x8FFFFFFF  }
0x98: {  	s19 =	sld [smem:$0x3FDB];
	_ =	sdelay $0x1  }
0x99: {  	s4 =	simm.s32 $_scs_section_size  }
0x9a: {  	s5 =	simm.s32 $_size__tile_overlayer_lowered;
	s6 =	simm.s32 $_tile_overlayer_lowered  }
0x9b: {  	s22 =	simm.s32 $0x1BFF;
	s21 =	sshll.u32 s6, $0x1;
	s3 =	sadd.s32 s4, s19  }
0x9c: {  	s7 =	simm.s32 $0x0;
	s20 =	sshll.u32 s5, $0x1;
	s5 =	sadd.s32 s21, s3  }
0x9d: {  	[timem:s7], [sflag:s22] =	dma.local [hbm:s5], s20  }
0x9e: {  	_ =	swait.ge [sflag:s22], s20  }
0x9f: {  	s4 =	ssub.s32 $0x0, s20;
	[sflag:s22] =	ssyncset.done $0x0  }
0xa0: {  	[sflag:s22] =	ssyncadd.s32 s4;
	_ =	sdelay $0x1  }
0xa1: {  	s23 =	simm.s32 $0x1B8B  }
0xa2: {  	_ =	swait.ge [sflag:s23], $0x1  }
0xa3: {  	[sflag:s23] =	ssyncset.done $0x0  }
0xa4: {  	s25 =	simm.s32 $0x1B8E;
	s24 =	sld [smem:$0x3FFE];
	[sflag:s23] =	ssyncadd.s32 $0xFFFFFFFF  }
0xa5: {  	s26 =	simm.s32 $execute0_lowered;
	[smem:$0x3FD2] =	sst s25  }
0xa6: {  	s5 =	sshll.u32 s26, $0x1;
	_ =	strace $0x80000046;
	[dreg:$0x1] =	wrdreg $0xFFFFFFFF  }
0xa7: {  	s28 =	simm.s32 $_size_execute0_lowered;
	s3 =	sadd.s32 s3, s5;
	[dreg:$0x0] =	wrdreg $0x0  }
0xa8: {  	s5 =	sshll.u32 s28, $0x1;
	[dreg:$0x2] =	wrdreg s3  }
0xa9: {  	[dreg:$0x3] =	wrdreg s5  }
0xaa: {  	[dreg:$0x4] =	wrdreg $0xC0  }
0xab: {  	_ =	task [dreg:s7], $0x5FFFF  }
0xac: {  	[dreg:$0x1] =	wrdreg $0xFFFFFFFF  }
0xad: {  	[dreg:$0x0] =	wrdreg $0x60  }
0xae: {  	[dreg:$0x2] =	wrdreg s24  }
0xaf: {  	[dreg:$0x3] =	wrdreg s2  }
0xb0: {  	[dreg:$0x4] =	wrdreg $0x9  }
0xb1: {  	_ =	task.clear_ibuf [dreg:s7], $0x5FFFF;
	_ =	strace $0x90000046  }
0xb2: {  	s29 =	simm.s32 $0x9;
	_ =	strace $0x80000048  }
0xb3: {  	_ =	swait.ge [sflag:s29], $0x1  }
0xb4: {  	[sflag:s29] =	ssyncadd.s32 $0xFFFFFFFF  }
0xb5: {  	_ =	strace $0x90000048  }
0xb6: {  	_ =	sfence  }
0xb7: {  	s30 =	sld [smem:$0x0];
	_ =	sdelay $0x2  }
0xb8: {  	s31 =	sshll.u32 s1, $0xD;
	s1 =	sshrl.u32 s1, $0x2  }
0xb9: {  	s3 =	sand.u32 $0x4000, s31;
	s1 =	sadd.s32 s1, s30  }
0xba: {  	s0 =	sor.u32 s3, s0;
	s1 =	sshll.u32 s1, $0x11  }
0xbb: {  	s0 =	sor.u32 s1, s0  }
0xbc: {  	s0 =	sadd.s32 $0x8F2B, s0  }
0xbd: {  	[sflag:s0] =	ssyncadd.remote.s32 $0x1  }
0xbe: {  	_ =	sfence.sel $0xFFFF  }
0xbf: {  	[dreg:$0x0] =	wrdreg $0xFFFFFFFF;
	(pc) =	sbr.abs _section_cstart, $3  }
0xc0: {  	[dreg:$0x1] =	wrdreg $0xFFFFFFFF  }
0xc1: {  	_ =	task.clear_ibuf [dreg:s7], $0x2FFFF;
	_ =	strace $0x9FFFFFFF  }
0xc2: {  	(tm) =	ssettm $0x7FFFFFFF  }
0xc3: {  	_ =	shalt  }
tec
execute0_lowered:
.L_overlay_start_1:
0x0: {  	(tag) =	ssettag $0x1  }
0x1: {  	s0 =	srdreg.scid;
	s10 =	stileid.u32  }
0x2: {  	s0 =	sand.u32 $0x1, s0;
	s23 =	smul.u32 $0x320000, s10  }
0x3: {  	s1 =	sshll.u32 s10, $0x1;
	s8 =	smul.u32 $0x6400, s0  }
0x4: {  	s1 =	sor.u32 s0, s1;
	s5 =	ssub.s32 $0x2, s0;
	s0 =	smul.u32 $0x190000, s0  }
0x5: {  	s2 =	rddreg [dreg:$0x0];
	s4 =	smul.u32 $0xC80, s1  }
0x6: {  	s18 =	rddreg [dreg:$0x1];
	s3 =	simm.s32 $0x0;
	s1 =	smul.u32 $0x32000, s1  }
0x7: {  	[smem:$0x7FF] =	sst s3  }
0x8: {  	_ =	strace $0x80000047;
	s0 =	sadd.s32 s0, s23;
	s11 =	sadd.s32 s18, s1  }
0x9: {  	s9 =	sadd.s32 s4, s2;
	s0 =	sadd.s32 $0x10000, s0;
	[dreg:$0xb] =	wrdreg s11  }
0xa: {  	s28 =	simm.s32 $0x6;
	s9 =	sadd.s32 $0xA00, s9;
	[dreg:$0x14] =	wrdreg s0  }
0xb: {  	s30 =	simm.s32 $0xE400;
	s13 =	sadd.s32 $0x400, s11;
	[dreg:$0xa] =	wrdreg s9  }
0xc: {  	s6 =	smul.u32 $0xC800, s10;
	s14 =	sadd.s32 $0x800, s11;
	[dreg:$0xc] =	wrdreg s13  }
0xd: {  	s29 =	simm.s32 $0x5;
	s15 =	sadd.s32 $0xC00, s11;
	[dreg:$0xd] =	wrdreg s14  }
0xe: {  	s12 =	sadd.s32 s8, s6;
	s16 =	sadd.s32 $0x1000, s11;
	[dreg:$0xe] =	wrdreg s15  }
0xf: {  	s1 =	sshll.u32 s12, $0x3;
	s19 =	sadd.s32 $0x1400, s11;
	[dreg:$0xf] =	wrdreg s16  }
0x10: {  	s31 =	simm.s32 $0x6;
	s17 =	sadd.s32 $0x3800, s1;
	[dreg:$0x10] =	wrdreg s19  }
0x11: {  	s10 =	simm.s32 $0xC;
	s21 =	sadd.s32 $0x1800, s11;
	[dreg:$0x3] =	wrdreg s17  }
0x12: {  	s7 =	sshrl.u32 s5, $0x1;
	s20 =	sadd.s32 $0x3400, s1;
	[dreg:$0x11] =	wrdreg s21  }
0x13: {  	s23 =	simm.s32 $0xE400;
	s22 =	sadd.s32 $0x3000, s1;
	[dreg:$0x4] =	wrdreg s20  }
0x14: {  	s4 =	sadd.s32 $0xF42E00, s2;
	s24 =	sadd.s32 $0x2C00, s1;
	[dreg:$0x5] =	wrdreg s22  }
0x15: {  	s2 =	ssub.s32 s5, s7;
	s7 =	sadd.s32 $0x1C00, s11;
	[dreg:$0x6] =	wrdreg s24  }
0x16: {  	s8 =	simm.s32 $0xA;
	s25 =	sadd.s32 $0x2800, s1;
	[dreg:$0x12] =	wrdreg s7  }
0x17: {  	s6 =	simm.s32 $0x0;
	s26 =	sadd.s32 $0x2400, s1;
	[dreg:$0x7] =	wrdreg s25  }
0x18: {  	s5 =	simm.s32 $0x7;
	s2 =	smax.u32 s2, $0x1;
	[dreg:$0x8] =	wrdreg s26  }
0x19: {  	s12 =	simm.s32 $0xE;
	s1 =	sadd.s32 $0x3C00, s1;
	[dreg:$0x13] =	wrdreg s2  }
0x1a: {  	s0 =	simm.s32 $0x12400;
	s11 =	simm.s32 $0xD;
	[dreg:$0x9] =	wrdreg s1  }
0x1b: {  	s17 =	simm.s32 $0x80;
	s15 =	simm.s32 $0x6400;
	s16 =	simm.s32 $0x8400  }
0x1c: {  	s19 =	simm.s32 $0xA400;
	s21 =	simm.s32 $0xC400;
	s1 =	simm.s32 $0x10400  }
0x1d: {  	s20 =	simm.s32 $0x1;
	s22 =	simm.s32 $0x2;
	s24 =	simm.s32 $0x3  }
0x1e: {  	s25 =	simm.s32 $0x4;
	s26 =	simm.s32 $0x5;
	s7 =	simm.s32 $0x8  }
0x1f: {  	s9 =	simm.s32 $0xB;
	s13 =	simm.s32 $0xF;
	s14 =	simm.s32 $0x10  }
.LBB2_1:
0x20: {  	[dreg:$0x15] =	wrdreg s6  }
0x21: {  	s2 =	rddreg [dreg:$0xa];
	s6 =	simm.s32 $0x11  }
0x22: {  	[tilespmem:s3], [sflag:$0x11] =	stream.linear.gather [hbm4b:s2+s3], $0x6400, $0x38;
	[tilespmem:$0x16400] =	vst v63  }
0x23: {  	_ =	swait.ge [sflag:s6], $0x6400  }
0x24: {  	[sflag:s6] =	ssyncset.done $0x0  }
0x25: {  	[sflag:s6] =	ssyncadd.s32 $0xFFFF9C00  }
0x26: {  	[tilespmem:s15], [sflag:$0x1] =	stream.indirect.gather [hbm4b:s4+s17], $0x40, s3, s17, $0xb8;
	[tilespmem:$0x16400] =	vst v63  }
0x27: {  	_ = 	snop  }
0x28: {  	[tilespmem:s16], [sflag:$0x2] =	stream.indirect.gather [hbm4b:s4+s17], $0x40, s17, s17, $0xb8;
	[tilespmem:$0x16400] =	vst v63  }
0x29: {  	s6 =	simm.s32 $0x100  }
0x2a: {  	[tilespmem:s19], [sflag:$0x3] =	stream.indirect.gather [hbm4b:s4+s17], $0x40, s6, s17, $0xb8;
	[tilespmem:$0x16400] =	vst v63  }
0x2b: {  	s6 =	simm.s32 $0x180  }
0x2c: {  	[tilespmem:s21], [sflag:$0x4] =	stream.indirect.gather [hbm4b:s4+s17], $0x40, s6, s17, $0xb8;
	[tilespmem:$0x16400] =	vst v63  }
0x2d: {  	s6 =	simm.s32 $0x200  }
0x2e: {  	[tilespmem:s23], [sflag:$0x5] =	stream.indirect.gather [hbm4b:s4+s17], $0x40, s6, s17, $0xb8;
	[tilespmem:$0x16400] =	vst v63  }
0x2f: {  	s6 =	simm.s32 $0x280  }
0x30: {  	[tilespmem:s1], [sflag:$0x6] =	stream.indirect.gather [hbm4b:s4+s17], $0x40, s6, s17, $0xb8;
	[tilespmem:$0x16400] =	vst v63  }
0x31: {  	s6 =	simm.s32 $0x300  }
0x32: {  	[tilespmem:s0], [sflag:$0x7] =	stream.indirect.gather [hbm4b:s4+s17], $0x40, s6, s17, $0xb8;
	[tilespmem:$0x16400] =	vst v63  }
0x33: {  	s2 =	simm.s32 $0x380;
	s6 =	simm.s32 $0x14400  }
0x34: {  	[tilespmem:s6], [sflag:$0x8] =	stream.indirect.gather [hbm4b:s4+s17], $0x40, s2, s17, $0xb8;
	[tilespmem:$0x16400] =	vst v63  }
0x35: {  	_ =	swait.ge [sflag:s20], $0x2000  }
0x36: {  	[sflag:s20] =	ssyncset.done $0x0  }
0x37: {  	s2 =	rddreg [dreg:$0xb];
	[sflag:s20] =	ssyncadd.s32 $0xFFFFE000  }
0x38: {  	[hbm4b:s2+s3] =	stream.linear.scatter [tilespmem:s15], [sflag:$0x9], $0x2000, $0x38;
	[tilespmem:$0x16400] =	vst v63  }
0x39: {  	_ =	swait.ge [sflag:s22], $0x2000  }
0x3a: {  	[sflag:s22] =	ssyncset.done $0x0  }
0x3b: {  	s2 =	rddreg [dreg:$0xc];
	[sflag:s22] =	ssyncadd.s32 $0xFFFFE000  }
0x3c: {  	[hbm4b:s2+s3] =	stream.linear.scatter [tilespmem:s16], [sflag:$0xA], $0x2000, $0x38;
	[tilespmem:$0x16400] =	vst v63  }
0x3d: {  	_ =	swait.ge [sflag:s24], $0x2000  }
0x3e: {  	[sflag:s24] =	ssyncset.done $0x0  }
0x3f: {  	s2 =	rddreg [dreg:$0xd];
	[sflag:s24] =	ssyncadd.s32 $0xFFFFE000  }
0x40: {  	[hbm4b:s2+s3] =	stream.linear.scatter [tilespmem:s19], [sflag:$0xB], $0x2000, $0x38;
	[tilespmem:$0x16400] =	vst v63  }
0x41: {  	_ =	swait.ge [sflag:s25], $0x2000  }
0x42: {  	[sflag:s25] =	ssyncset.done $0x0  }
0x43: {  	s2 =	rddreg [dreg:$0xe];
	[sflag:s25] =	ssyncadd.s32 $0xFFFFE000  }
0x44: {  	[hbm4b:s2+s3] =	stream.linear.scatter [tilespmem:s21], [sflag:$0xC], $0x2000, $0x38;
	[tilespmem:$0x16400] =	vst v63  }
0x45: {  	_ =	swait.ge [sflag:s26], $0x2000  }
0x46: {  	[sflag:s26] =	ssyncset.done $0x0  }
0x47: {  	s2 =	rddreg [dreg:$0xf];
	[sflag:s26] =	ssyncadd.s32 $0xFFFFE000  }
0x48: {  	[hbm4b:s2+s3] =	stream.linear.scatter [tilespmem:s23], [sflag:$0xD], $0x2000, $0x38;
	[tilespmem:$0x16400] =	vst v63  }
0x49: {  	_ =	swait.ge [sflag:s28], $0x2000  }
0x4a: {  	[sflag:s28] =	ssyncset.done $0x0  }
0x4b: {  	s2 =	rddreg [dreg:$0x10];
	[sflag:s28] =	ssyncadd.s32 $0xFFFFE000  }
0x4c: {  	[hbm4b:s2+s3] =	stream.linear.scatter [tilespmem:s1], [sflag:$0xE], $0x2000, $0x38;
	[tilespmem:$0x16400] =	vst v63  }
0x4d: {  	_ =	swait.ge [sflag:s5], $0x2000  }
0x4e: {  	[sflag:s5] =	ssyncset.done $0x0  }
0x4f: {  	s2 =	rddreg [dreg:$0x11];
	[sflag:s5] =	ssyncadd.s32 $0xFFFFE000  }
0x50: {  	[hbm4b:s2+s3] =	stream.linear.scatter [tilespmem:s0], [sflag:$0xF], $0x2000, $0x38;
	[tilespmem:$0x16400] =	vst v63  }
0x51: {  	_ =	swait.ge [sflag:s7], $0x2000  }
0x52: {  	[sflag:s7] =	ssyncset.done $0x0  }
0x53: {  	s2 =	rddreg [dreg:$0x12];
	[sflag:s7] =	ssyncadd.s32 $0xFFFFE000  }
0x54: {  	[hbm4b:s2+s3] =	stream.linear.scatter [tilespmem:s6], [sflag:$0x10], $0x2000, $0x38;
	[tilespmem:$0x16400] =	vst v63  }
0x55: {  	s2 =	simm.s32 $0x9  }
0x56: {  	_ =	swait.ge [sflag:s2], $0x2000  }
0x57: {  	[sflag:s2] =	ssyncset.done $0x0  }
0x58: {  	[sflag:s2] =	ssyncadd.s32 $0xFFFFE000;
	s2 =	simm.s32 $0x400  }
0x59: {  	[tilespmem:s15], [sflag:$0x1] =	stream.indirect.gather [hbm4b:s4+s17], $0x40, s2, s17, $0xb8;
	[tilespmem:$0x16400] =	vst v63  }
0x5a: {  	_ =	swait.ge [sflag:s8], $0x2000  }
0x5b: {  	[sflag:s8] =	ssyncset.done $0x0  }
0x5c: {  	s2 =	simm.s32 $0x480;
	[sflag:s8] =	ssyncadd.s32 $0xFFFFE000  }
0x5d: {  	[tilespmem:s16], [sflag:$0x2] =	stream.indirect.gather [hbm4b:s4+s17], $0x40, s2, s17, $0xb8;
	[tilespmem:$0x16400] =	vst v63  }
0x5e: {  	_ =	swait.ge [sflag:s9], $0x2000  }
0x5f: {  	[sflag:s9] =	ssyncset.done $0x0  }
0x60: {  	s2 =	simm.s32 $0x500;
	[sflag:s9] =	ssyncadd.s32 $0xFFFFE000  }
0x61: {  	[tilespmem:s19], [sflag:$0x3] =	stream.indirect.gather [hbm4b:s4+s17], $0x40, s2, s17, $0xb8;
	[tilespmem:$0x16400] =	vst v63  }
0x62: {  	_ =	swait.ge [sflag:s10], $0x2000  }
0x63: {  	[sflag:s10] =	ssyncset.done $0x0  }
0x64: {  	s2 =	simm.s32 $0x580;
	[sflag:s10] =	ssyncadd.s32 $0xFFFFE000  }
0x65: {  	[tilespmem:s21], [sflag:$0x4] =	stream.indirect.gather [hbm4b:s4+s17], $0x40, s2, s17, $0xb8;
	[tilespmem:$0x16400] =	vst v63  }
0x66: {  	_ =	swait.ge [sflag:s11], $0x2000  }
0x67: {  	[sflag:s11] =	ssyncset.done $0x0  }
0x68: {  	s2 =	simm.s32 $0x600;
	[sflag:s11] =	ssyncadd.s32 $0xFFFFE000  }
0x69: {  	[tilespmem:s23], [sflag:$0x5] =	stream.indirect.gather [hbm4b:s4+s17], $0x40, s2, s17, $0xb8;
	[tilespmem:$0x16400] =	vst v63  }
0x6a: {  	_ =	swait.ge [sflag:s12], $0x2000  }
0x6b: {  	[sflag:s12] =	ssyncset.done $0x0  }
0x6c: {  	s2 =	simm.s32 $0x680;
	[sflag:s12] =	ssyncadd.s32 $0xFFFFE000  }
0x6d: {  	[tilespmem:s1], [sflag:$0x6] =	stream.indirect.gather [hbm4b:s4+s17], $0x40, s2, s17, $0xb8;
	[tilespmem:$0x16400] =	vst v63  }
0x6e: {  	_ =	swait.ge [sflag:s13], $0x2000  }
0x6f: {  	[sflag:s13] =	ssyncset.done $0x0  }
0x70: {  	s2 =	simm.s32 $0x700;
	[sflag:s13] =	ssyncadd.s32 $0xFFFFE000  }
0x71: {  	[tilespmem:s0], [sflag:$0x7] =	stream.indirect.gather [hbm4b:s4+s17], $0x40, s2, s17, $0xb8;
	[tilespmem:$0x16400] =	vst v63  }
0x72: {  	_ =	swait.ge [sflag:s14], $0x2000  }
0x73: {  	[sflag:s14] =	ssyncset.done $0x0  }
0x74: {  	s2 =	simm.s32 $0x780;
	[sflag:s14] =	ssyncadd.s32 $0xFFFFE000  }
0x75: {  	[tilespmem:s6], [sflag:$0x8] =	stream.indirect.gather [hbm4b:s4+s17], $0x40, s2, s17, $0xb8;
	[tilespmem:$0x16400] =	vst v63  }
0x76: {  	_ =	swait.ge [sflag:s20], $0x2000  }
0x77: {  	s6 =	rddreg [dreg:$0x14]  }
0x78: {  	[sflag:s20] =	ssyncset.done $0x0;
	s2 =	sshrl.u32 s6, $0x3  }
0x79: {  	[sflag:s20] =	ssyncadd.s32 $0xFFFFE000;
	s2 =	sadd.s32 s18, s2  }
0x7a: {  	[hbm4b:s2+s3] =	stream.linear.scatter [tilespmem:s15], [sflag:$0x9], $0x2000, $0x38;
	[tilespmem:$0x16400] =	vst v63  }
0x7b: {  	_ =	swait.ge [sflag:s22], $0x2000  }
0x7c: {  	s15 =	rddreg [dreg:$0x8];
	[sflag:s22] =	ssyncset.done $0x0  }
0x7d: {  	[sflag:s22] =	ssyncadd.s32 $0xFFFFE000;
	s2 =	sadd.s32 s18, s15  }
0x7e: {  	[hbm4b:s2+s3] =	stream.linear.scatter [tilespmem:s16], [sflag:$0xA], $0x2000, $0x38;
	[tilespmem:$0x16400] =	vst v63  }
0x7f: {  	_ =	swait.ge [sflag:s24], $0x2000  }
0x80: {  	s16 =	rddreg [dreg:$0x7];
	[sflag:s24] =	ssyncset.done $0x0  }
0x81: {  	[sflag:s24] =	ssyncadd.s32 $0xFFFFE000;
	s2 =	sadd.s32 s18, s16  }
0x82: {  	[hbm4b:s2+s3] =	stream.linear.scatter [tilespmem:s19], [sflag:$0xB], $0x2000, $0x38;
	[tilespmem:$0x16400] =	vst v63  }
0x83: {  	_ =	swait.ge [sflag:s25], $0x2000  }
0x84: {  	s20 =	rddreg [dreg:$0x6];
	[sflag:s25] =	ssyncset.done $0x0  }
0x85: {  	[sflag:s25] =	ssyncadd.s32 $0xFFFFE000;
	s2 =	sadd.s32 s18, s20  }
0x86: {  	[hbm4b:s2+s3] =	stream.linear.scatter [tilespmem:s21], [sflag:$0xC], $0x2000, $0x38;
	[tilespmem:$0x16400] =	vst v63  }
0x87: {  	_ =	swait.ge [sflag:s26], $0x2000  }
0x88: {  	s22 =	rddreg [dreg:$0x5];
	[sflag:s26] =	ssyncset.done $0x0  }
0x89: {  	[sflag:s26] =	ssyncadd.s32 $0xFFFFE000;
	s2 =	sadd.s32 s18, s22  }
0x8a: {  	[hbm4b:s2+s3] =	stream.linear.scatter [tilespmem:s23], [sflag:$0xD], $0x2000, $0x38;
	[tilespmem:$0x16400] =	vst v63  }
0x8b: {  	s15 =	sadd.s32 $0x10000, s6;
	_ =	swait.ge [sflag:s28], $0x2000  }
0x8c: {  	s6 =	sadd.s32 $0x2000, s18;
	s24 =	rddreg [dreg:$0x4];
	[sflag:s28] =	ssyncset.done $0x0  }
0x8d: {  	s16 =	simm.s32 $0x1000;
	[sflag:s28] =	ssyncadd.s32 $0xFFFFE000;
	s2 =	sadd.s32 s18, s24  }
0x8e: {  	[hbm4b:s2+s3] =	stream.linear.scatter [tilespmem:s1], [sflag:$0xE], $0x2000, $0x38;
	[tilespmem:$0x16400] =	vst v63  }
0x8f: {  	s21 =	simm.s32 $0x6400;
	s22 =	simm.s32 $0x2;
	_ =	swait.ge [sflag:s5], $0x2000  }
0x90: {  	s23 =	simm.s32 $0x8400;
	s25 =	rddreg [dreg:$0x3];
	[sflag:s5] =	ssyncset.done $0x0  }
0x91: {  	s24 =	simm.s32 $0x3;
	[sflag:s5] =	ssyncadd.s32 $0xFFFFE000;
	s2 =	sadd.s32 s18, s25  }
0x92: {  	[hbm4b:s2+s3] =	stream.linear.scatter [tilespmem:s0], [sflag:$0xF], $0x2000, $0x38;
	[tilespmem:$0x16400] =	vst v63  }
0x93: {  	s28 =	simm.s32 $0xC400;
	s1 =	simm.s32 $0x10400;
	_ =	swait.ge [sflag:s7], $0x2000  }
0x94: {  	s5 =	simm.s32 $0x7;
	s25 =	simm.s32 $0xA400;
	[sflag:s7] =	ssyncset.done $0x0  }
0x95: {  	s0 =	simm.s32 $0x12400;
	s26 =	rddreg [dreg:$0x9];
	[sflag:s7] =	ssyncadd.s32 $0xFFFFE000  }
0x96: {  	s2 =	sadd.s32 s18, s26;
	s7 =	simm.s32 $0x8;
	s26 =	simm.s32 $0x4  }
.LBB2_2:
0x97: {  	s20 =	simm.s32 $0x14400;
	s19 =	simm.s32 $0x9  }
0x98: {  	[hbm4b:s2+s3] =	stream.linear.scatter [tilespmem:s20], [sflag:$0x10], $0x2000, $0x38;
	[tilespmem:$0x16400] =	vst v63  }
0x99: {  	s2 =	smov.u32 s16;
	_ =	swait.ge [sflag:s19], $0x2000  }
0x9a: {  	s2 =	sshra.s32 s2, $0x2;
	[sflag:s19] =	ssyncset.done $0x0  }
0x9b: {  	[sflag:s19] =	ssyncadd.s32 $0xFFFFE000;
	s19 =	smov.u32 s18;
	s18 =	sadd.s32 $0x400, s2  }
0x9c: {  	[tilespmem:s21], [sflag:$0x1] =	stream.indirect.gather [hbm4b:s4+s17], $0x40, s18, s17, $0xb8;
	[tilespmem:$0x16400] =	vst v63  }
0x9d: {  	_ =	swait.ge [sflag:s8], $0x2000  }
0x9e: {  	[sflag:s8] =	ssyncset.done $0x0  }
0x9f: {  	s18 =	sadd.s32 $0x480, s2;
	[sflag:s8] =	ssyncadd.s32 $0xFFFFE000  }
0xa0: {  	[tilespmem:s23], [sflag:$0x2] =	stream.indirect.gather [hbm4b:s4+s17], $0x40, s18, s17, $0xb8;
	[tilespmem:$0x16400] =	vst v63  }
0xa1: {  	_ =	swait.ge [sflag:s9], $0x2000  }
0xa2: {  	[sflag:s9] =	ssyncset.done $0x0  }
0xa3: {  	s18 =	sadd.s32 $0x500, s2;
	[sflag:s9] =	ssyncadd.s32 $0xFFFFE000  }
0xa4: {  	[tilespmem:s25], [sflag:$0x3] =	stream.indirect.gather [hbm4b:s4+s17], $0x40, s18, s17, $0xb8;
	[tilespmem:$0x16400] =	vst v63  }
0xa5: {  	_ =	swait.ge [sflag:s10], $0x2000  }
0xa6: {  	[sflag:s10] =	ssyncset.done $0x0  }
0xa7: {  	s18 =	sadd.s32 $0x580, s2;
	[sflag:s10] =	ssyncadd.s32 $0xFFFFE000  }
0xa8: {  	[tilespmem:s28], [sflag:$0x4] =	stream.indirect.gather [hbm4b:s4+s17], $0x40, s18, s17, $0xb8;
	[tilespmem:$0x16400] =	vst v63  }
0xa9: {  	_ =	swait.ge [sflag:s11], $0x2000  }
0xaa: {  	[sflag:s11] =	ssyncset.done $0x0  }
0xab: {  	s18 =	sadd.s32 $0x600, s2;
	[sflag:s11] =	ssyncadd.s32 $0xFFFFE000  }
0xac: {  	[tilespmem:s30], [sflag:$0x5] =	stream.indirect.gather [hbm4b:s4+s17], $0x40, s18, s17, $0xb8;
	[tilespmem:$0x16400] =	vst v63  }
0xad: {  	_ =	swait.ge [sflag:s12], $0x2000  }
0xae: {  	[sflag:s12] =	ssyncset.done $0x0  }
0xaf: {  	s18 =	sadd.s32 $0x680, s2;
	[sflag:s12] =	ssyncadd.s32 $0xFFFFE000  }
0xb0: {  	[tilespmem:s1], [sflag:$0x6] =	stream.indirect.gather [hbm4b:s4+s17], $0x40, s18, s17, $0xb8;
	[tilespmem:$0x16400] =	vst v63  }
0xb1: {  	_ =	swait.ge [sflag:s13], $0x2000  }
0xb2: {  	[sflag:s13] =	ssyncset.done $0x0  }
0xb3: {  	s18 =	sadd.s32 $0x700, s2;
	[sflag:s13] =	ssyncadd.s32 $0xFFFFE000  }
0xb4: {  	[tilespmem:s0], [sflag:$0x7] =	stream.indirect.gather [hbm4b:s4+s17], $0x40, s18, s17, $0xb8;
	[tilespmem:$0x16400] =	vst v63  }
0xb5: {  	_ =	swait.ge [sflag:s14], $0x2000  }
0xb6: {  	[sflag:s14] =	ssyncset.done $0x0  }
0xb7: {  	s2 =	sadd.s32 $0x780, s2;
	[sflag:s14] =	ssyncadd.s32 $0xFFFFE000  }
0xb8: {  	[tilespmem:s20], [sflag:$0x8] =	stream.indirect.gather [hbm4b:s4+s17], $0x40, s2, s17, $0xb8;
	[tilespmem:$0x16400] =	vst v63  }
0xb9: {  	s20 =	simm.s32 $0x1  }
0xba: {  	_ =	swait.ge [sflag:s20], $0x2000  }
0xbb: {  	s18 =	smov.u32 s19;
	s2 =	sshrl.u32 s15, $0x3;
	[sflag:s20] =	ssyncset.done $0x0  }
0xbc: {  	s2 =	sadd.s32 s18, s2;
	[sflag:s20] =	ssyncadd.s32 $0xFFFFE000  }
0xbd: {  	[hbm4b:s2+s3] =	stream.linear.scatter [tilespmem:s21], [sflag:$0x9], $0x2000, $0x38;
	[tilespmem:$0x16400] =	vst v63  }
0xbe: {  	_ =	swait.ge [sflag:s22], $0x2000  }
0xbf: {  	s2 =	rddreg [dreg:$0x8];
	[sflag:s22] =	ssyncset.done $0x0  }
0xc0: {  	[sflag:s22] =	ssyncadd.s32 $0xFFFFE000;
	s2 =	sadd.s32 s6, s2  }
0xc1: {  	[hbm4b:s2+s3] =	stream.linear.scatter [tilespmem:s23], [sflag:$0xA], $0x2000, $0x38;
	[tilespmem:$0x16400] =	vst v63  }
0xc2: {  	_ =	swait.ge [sflag:s24], $0x2000  }
0xc3: {  	s2 =	rddreg [dreg:$0x7];
	[sflag:s24] =	ssyncset.done $0x0  }
0xc4: {  	[sflag:s24] =	ssyncadd.s32 $0xFFFFE000;
	s2 =	sadd.s32 s6, s2  }
0xc5: {  	[hbm4b:s2+s3] =	stream.linear.scatter [tilespmem:s25], [sflag:$0xB], $0x2000, $0x38;
	[tilespmem:$0x16400] =	vst v63  }
0xc6: {  	_ =	swait.ge [sflag:s26], $0x2000  }
0xc7: {  	s2 =	rddreg [dreg:$0x6];
	[sflag:s26] =	ssyncset.done $0x0  }
0xc8: {  	[sflag:s26] =	ssyncadd.s32 $0xFFFFE000;
	s2 =	sadd.s32 s6, s2  }
0xc9: {  	[hbm4b:s2+s3] =	stream.linear.scatter [tilespmem:s28], [sflag:$0xC], $0x2000, $0x38;
	[tilespmem:$0x16400] =	vst v63  }
0xca: {  	_ =	swait.ge [sflag:s29], $0x2000  }
0xcb: {  	s2 =	rddreg [dreg:$0x5];
	[sflag:s29] =	ssyncset.done $0x0  }
0xcc: {  	[sflag:s29] =	ssyncadd.s32 $0xFFFFE000;
	s2 =	sadd.s32 s6, s2  }
0xcd: {  	[hbm4b:s2+s3] =	stream.linear.scatter [tilespmem:s30], [sflag:$0xD], $0x2000, $0x38;
	[tilespmem:$0x16400] =	vst v63  }
0xce: {  	_ =	swait.ge [sflag:s31], $0x2000  }
0xcf: {  	s2 =	rddreg [dreg:$0x4];
	[sflag:s31] =	ssyncset.done $0x0  }
0xd0: {  	[sflag:s31] =	ssyncadd.s32 $0xFFFFE000;
	s2 =	sadd.s32 s6, s2  }
0xd1: {  	[hbm4b:s2+s3] =	stream.linear.scatter [tilespmem:s1], [sflag:$0xE], $0x2000, $0x38;
	[tilespmem:$0x16400] =	vst v63  }
0xd2: {  	_ =	swait.ge [sflag:s5], $0x2000  }
0xd3: {  	p0 =	sne.s32 s16, $0x17000;
	s2 =	rddreg [dreg:$0x3];
	[sflag:s5] =	ssyncset.done $0x0  }
.Ltmp0:
0xd4: {  	[sflag:s5] =	ssyncadd.s32 $0xFFFFE000;
	s2 =	sadd.s32 s6, s2;
	(pc) =	sbr.rel @p0 .LBB2_2-.Ltmp0, $4  }
0xd5: {  	[hbm4b:s2+s3] =	stream.linear.scatter [tilespmem:s0], [sflag:$0xF], $0x2000, $0x38;
	[tilespmem:$0x16400] =	vst v63  }
0xd6: {  	s16 =	sadd.s32 $0x1000, s16;
	s19 =	simm.s32 $0x14400;
	_ =	swait.ge [sflag:s7], $0x2000  }
0xd7: {  	s15 =	sadd.s32 $0x10000, s15;
	[sflag:s7] =	ssyncset.done $0x0;
	s2 =	rddreg [dreg:$0x9]  }
0xd8: {  	[sflag:s7] =	ssyncadd.s32 $0xFFFFE000;
	s2 =	sadd.s32 s6, s2;
	s6 =	sadd.s32 $0x2000, s6  }
0xd9: {  	[hbm4b:s2+s3] =	stream.linear.scatter [tilespmem:s19], [sflag:$0x10], $0x2000, $0x38;
	[tilespmem:$0x16400] =	vst v63  }
0xda: {  	s0 =	simm.s32 $0x9  }
0xdb: {  	_ =	swait.ge [sflag:s0], $0x2000  }
0xdc: {  	[sflag:s0] =	ssyncset.done $0x0  }
0xdd: {  	[sflag:s0] =	ssyncadd.s32 $0xFFFFE000  }
0xde: {  	_ =	swait.ge [sflag:s8], $0x2000  }
0xdf: {  	[sflag:s8] =	ssyncset.done $0x0  }
0xe0: {  	[sflag:s8] =	ssyncadd.s32 $0xFFFFE000  }
0xe1: {  	_ =	swait.ge [sflag:s9], $0x2000  }
0xe2: {  	[sflag:s9] =	ssyncset.done $0x0  }
0xe3: {  	[sflag:s9] =	ssyncadd.s32 $0xFFFFE000  }
0xe4: {  	_ =	swait.ge [sflag:s10], $0x2000  }
0xe5: {  	[sflag:s10] =	ssyncset.done $0x0  }
0xe6: {  	[sflag:s10] =	ssyncadd.s32 $0xFFFFE000  }
0xe7: {  	_ =	swait.ge [sflag:s11], $0x2000  }
0xe8: {  	[sflag:s11] =	ssyncset.done $0x0  }
0xe9: {  	[sflag:s11] =	ssyncadd.s32 $0xFFFFE000  }
0xea: {  	_ =	swait.ge [sflag:s12], $0x2000  }
0xeb: {  	[sflag:s12] =	ssyncset.done $0x0  }
0xec: {  	[sflag:s12] =	ssyncadd.s32 $0xFFFFE000  }
0xed: {  	_ =	swait.ge [sflag:s13], $0x2000  }
0xee: {  	[sflag:s13] =	ssyncset.done $0x0  }
0xef: {  	[sflag:s13] =	ssyncadd.s32 $0xFFFFE000  }
0xf0: {  	_ =	swait.ge [sflag:s14], $0x2000  }
0xf1: {  	s6 =	rddreg [dreg:$0x15]  }
0xf2: {  	s26 =	rddreg [dreg:$0x13];
	s6 =	sadd.s32 $0x1, s6  }
0xf3: {  	s15 =	simm.s32 $0x6400;
	s16 =	simm.s32 $0x8400;
	p0 =	sne.s32 s6, s26  }
.Ltmp1:
0xf4: {  	s19 =	simm.s32 $0xA400;
	s21 =	simm.s32 $0xC400;
	(pc) =	sbr.rel @p0 .LBB2_1-.Ltmp1, $4  }
0xf5: {  	s23 =	simm.s32 $0xE400;
	s1 =	simm.s32 $0x10400;
	s22 =	simm.s32 $0x2  }
0xf6: {  	s24 =	simm.s32 $0x3;
	s25 =	simm.s32 $0x4;
	s28 =	simm.s32 $0x6  }
0xf7: {  	s5 =	simm.s32 $0x7;
	s7 =	simm.s32 $0x8;
	[sflag:s14] =	ssyncset.done $0x0  }
0xf8: {  	s0 =	simm.s32 $0x12400;
	[sflag:s14] =	ssyncadd.s32 $0xFFFFE000;
	s26 =	simm.s32 $0x5  }
0xf9: {  	_ =	sfence.sel $0x180000  }
0xfa: {  	[bflag:$0x0] =	sbarrier.arrive $0xFFFF  }
0xfb: {  	_ =	strace $0x90000047  }
0xfc: {  	s0 =	stileid.u32;
	[bflag:$0x2] =	sbarrier.arrive $0xFFFF  }
0xfd: {  	p0 =	sne.s32 s0, $0x0;
	s0 =	rddreg [dreg:$0x2]  }
0xfe: {  	s0 =	sadd.s32 @!p0 $0x100000, s0  }
0xff: {  	[sflag:s0] =	ssyncadd.tile.s32 @!p0 $0x1;
	_ =	shalt  }
.Lfunc_end2:
_tile_overlayer_lowered:
.L_overlay_start_2:
0x100: {  	(tag) =	ssettag $0x2  }
0x101: {  	s0 =	rddreg [dreg:$0x0];
	s2 =	stileid.u32  }
0x102: {  	s1 =	rddreg [dreg:$0x1];
	p0 =	sne.s32 s2, $0x0  }
0x103: {  	s3 =	rddreg [dreg:$0x2];
	[bflag:$0x3] =	sbarrier.arrive $0xFFFF;
	s2 =	simm.s32 @!p0 $0x1C11  }
0x104: {  	[timem:s3], [sflag:s2] =	dma.local @!p0 [hbm:s0], s1  }
0x105: {  	s0 =	simm.s32 @!p0 $0x11  }
0x106: {  	_ =	swait.ge @!p0 [sflag:s0], s1  }
0x107: {  	s1 =	ssub.s32 @!p0 $0x0, s1;
	[sflag:s0] =	ssyncset.done @!p0 $0x0  }
0x108: {  	[sflag:s0] =	ssyncadd.s32 @!p0 s1  }
0x109: {  	[bflag:$0x3] =	sbarrier.arrive $0xFFFF  }
0x10a: {  	_ =	shalt  }

// kernel: sparse-core-data-format-call.cloned.1.call-start
scs
called_computation_lowered:
.L_overlay_start_0:
0x0: {  	s2 =	sld [smem:$0x3FD9]  }
0x1: {  	s3 =	sld [smem:$0x3FFE];
	_ =	sdelay $0x1  }
0x2: {  	s1 =	srdreg.scid  }
0x3: {  	s0 =	sand.u32 $0x1, s1  }
0x4: {  	s18 =	sshll.u32 s0, $0xA;
	s2 =	sadd.s32 s3, s2  }
0x5: {  	s2 =	sadd.s32 s2, s18  }
0x6: {  	[smem:$0x3FC6] =	sst s2  }
0x7: {  	_ = 	snop  }
0x8: {  	s2 =	sld [smem:$0x3FD0];
	(tm) =	ssettm $0x1  }
0x9: {  	s19 =	sld [smem:$0x3FFB];
	_ =	sdelay $0x3  }
0xa: {  	_ =	strace s19  }
0xb: {  	s3 =	sld [smem:$0x3FFC];
	_ =	sdelay $0x3  }
0xc: {  	_ =	strace s3  }
0xd: {  	s3 =	sld [smem:$0x3FFD];
	_ =	sdelay $0x3  }
0xe: {  	_ =	strace s3  }
0xf: {  	_ =	strace $0x8FFFFFFF  }
0x10: {  	s20 =	sld [smem:$0x3FDB];
	_ =	sdelay $0x1  }
0x11: {  	s4 =	simm.s32 $_scs_section_size  }
0x12: {  	s5 =	simm.s32 $_size__tile_overlayer_lowered;
	s6 =	simm.s32 $_tile_overlayer_lowered  }
0x13: {  	s23 =	simm.s32 $0x1BFF;
	s22 =	sshll.u32 s6, $0x1;
	s3 =	sadd.s32 s4, s20  }
0x14: {  	s7 =	simm.s32 $0x0;
	s21 =	sshll.u32 s5, $0x1;
	s5 =	sadd.s32 s22, s3  }
0x15: {  	[timem:s7], [sflag:s23] =	dma.local [hbm:s5], s21  }
0x16: {  	_ =	swait.ge [sflag:s23], s21  }
0x17: {  	s4 =	ssub.s32 $0x0, s21;
	[sflag:s23] =	ssyncset.done $0x0  }
0x18: {  	[sflag:s23] =	ssyncadd.s32 s4;
	_ =	sdelay $0x1  }
0x19: {  	s24 =	simm.s32 $0x1B8B  }
0x1a: {  	_ =	swait.ge [sflag:s24], $0x1  }
0x1b: {  	[sflag:s24] =	ssyncset.done $0x0  }
0x1c: {  	s26 =	simm.s32 $0x1B8E;
	s25 =	sld [smem:$0x3FFE];
	[sflag:s24] =	ssyncadd.s32 $0xFFFFFFFF  }
0x1d: {  	s27 =	simm.s32 $execute0_lowered;
	[smem:$0x3FD2] =	sst s26  }
0x1e: {  	s5 =	sshll.u32 s27, $0x1;
	_ =	strace $0x80000049;
	[dreg:$0x1] =	wrdreg $0xFFFFFFFF  }
0x1f: {  	s28 =	simm.s32 $_size_execute0_lowered;
	s3 =	sadd.s32 s3, s5;
	[dreg:$0x0] =	wrdreg $0x0  }
0x20: {  	s5 =	sshll.u32 s28, $0x1;
	[dreg:$0x2] =	wrdreg s3  }
0x21: {  	[dreg:$0x3] =	wrdreg s5  }
0x22: {  	[dreg:$0x4] =	wrdreg $0xC0  }
0x23: {  	_ =	task [dreg:s7], $0x5FFFF  }
0x24: {  	[dreg:$0x1] =	wrdreg $0xFFFFFFFF  }
0x25: {  	[dreg:$0x0] =	wrdreg $0x60  }
0x26: {  	[dreg:$0x2] =	wrdreg s25  }
0x27: {  	[dreg:$0x3] =	wrdreg s2  }
0x28: {  	[dreg:$0x4] =	wrdreg $0x9  }
0x29: {  	_ =	task.clear_ibuf [dreg:s7], $0x5FFFF;
	_ =	strace $0x90000049  }
0x2a: {  	s29 =	simm.s32 $0x9;
	_ =	strace $0x8000004B  }
0x2b: {  	_ =	swait.ge [sflag:s29], $0x1  }
0x2c: {  	[sflag:s29] =	ssyncadd.s32 $0xFFFFFFFF  }
0x2d: {  	_ =	strace $0x9000004B  }
0x2e: {  	_ =	sfence  }
0x2f: {  	s30 =	sld [smem:$0x0];
	_ =	sdelay $0x2  }
0x30: {  	s31 =	sshll.u32 s1, $0xD;
	s1 =	sshrl.u32 s1, $0x2  }
0x31: {  	s3 =	sand.u32 $0x4000, s31;
	s1 =	sadd.s32 s1, s30  }
0x32: {  	s0 =	sor.u32 s3, s0;
	s1 =	sshll.u32 s1, $0x11  }
0x33: {  	s0 =	sor.u32 s1, s0  }
0x34: {  	s0 =	sadd.s32 $0x8F2B, s0  }
0x35: {  	[sflag:s0] =	ssyncadd.remote.s32 $0x1  }
0x36: {  	_ =	sfence.sel $0xFFFF  }
0x37: {  	[dreg:$0x0] =	wrdreg $0xFFFFFFFF;
	(pc) =	sbr.abs _section_cstart, $3  }
0x38: {  	[dreg:$0x1] =	wrdreg $0xFFFFFFFF  }
0x39: {  	_ =	task.clear_ibuf [dreg:s7], $0x2FFFF;
	_ =	strace $0x9FFFFFFF  }
0x3a: {  	(tm) =	ssettm $0x7FFFFFFF  }
0x3b: {  	_ =	shalt  }
tec
execute0_lowered:
.L_overlay_start_1:
0x0: {  	(tag) =	ssettag $0x1  }
0x1: {  	s0 =	srdreg.scid  }
0x2: {  	s1 =	sshll.u32 s0, $0x4  }
0x3: {  	s0 =	stileid.u32;
	s1 =	sand.u32 $0x10, s1  }
0x4: {  	s1 =	sor.u32 s0, s1  }
0x5: {  	s6 =	rddreg [dreg:$0x0];
	s4 =	simm.s32 $0x1;
	s2 =	sshll.u32 s1, $0x7  }
0x6: {  	s7 =	simm.s32 $0x2;
	s12 =	simm.s32 $0x0;
	s1 =	ssub.s32 $0x4000, s2  }
0x7: {  	s8 =	simm.s32 $0x20000;
	s13 =	simm.s32 $0x0;
	s3 =	sand.u32 $0xF80, s1  }
0x8: {  	s9 =	simm.s32 $0x0;
	s5 =	sshrl.u32 s1, $0xC;
	p0 =	sne.s32 s3, $0x0  }
.Ltmp0:
0x9: {  	s1 =	rddreg [dreg:$0x2];
	s4 =	simm.s32 @!p0 $0x0;
	(pc) =	sbr.rel .LBB1_1-.Ltmp0, $4  }
0xa: {  	s11 =	simm.s32 $0x0;
	s3 =	rddreg [dreg:$0x1];
	s5 =	sadd.s32 s4, s5  }
0xb: {  	_ =	strace $0x8000004A;
	s4 =	simm.s32 $0x1;
	s5 =	smul.u32 $0x32, s5  }
0xc: {  	s6 =	sadd.s32 $0xA00, s6;
	s10 =	smov.u32 s2;
	[sflag:s4] =	ssyncpa.u1 $0x0  }
0xd: {  	p0 =	por $0x0, $0x0;
	[sflag:s7] =	ssyncpa.u1 $0x0;
	s7 =	sor.u32 $0x1, s5  }
.LBB1_4:
0xe: {  	s16 =	sshll.u32 s13, $0x3;
	s17 =	sand.u32 $0x78, s13  }
0xf: {  	s30 =	sand.u32 $0x1F800, s13;
	s12 =	sshll.u32 s12, $0x11;
	s16 =	sand.u32 $0x3C00, s16  }
0x10: {  	[tilespmem:s15+$0x810 ss:$0x81] =	vst.msk $0xffff, v2;
	s31 =	sand.u32 $0x7, s13;
	s16 =	sor.u32 s17, s16;
	s17 =	sadd.s32 s3, s30  }
0x11: {  	[tilespmem:s15+$0x1020 ss:$0x81] =	vst.msk $0xffff, v0;
	s13 =	sshll.u32 s31, $0x12;
	s12 =	sadd.s32 s12, s17;
	s16 =	sshrl.u32 s16, $0x3  }
0x12: {  	[tilespmem:s15+$0x0 ss:$0x81] =	vst.msk $0xffff, v1;
	s13 =	sor.u32 $0x400, s13;
	s12 =	sadd.s32 s16, s12  }
0x13: {  	[hbm4b:s12+s13] =	stream.strided.scatter [tilespmem:s14], [sflag:$0x2], $0x2000, s8, s13, $0x20;
	[tilespmem:$0x8080] =	vst v63  }
.LBB1_5:
0x14: {  	s14 =	sadd.s32 $0x1, s9  }
0x15: {  	s12 =	sadd.s32 $0x1000, s10;
	s16 =	smov.u32 s10;
	p2 =	sgt.s32 s14, $0x31  }
0x16: {  	s16 =	smov.u32 @p2 s12  }
0x17: {  	s14 =	simm.s32 @p2 $0x0;
	p2 =	sgt.s32 s16, $0x3FFF  }
0x18: {  	s16 =	smov.u32 @p2 s2;
	p2 =	sne.s32 s11, s7  }
.Ltmp1:
0x19: {  	p1 =	slt.u32 s11, $0x2;
	(pc) =	sbr.rel @!p2 .LBB1_6-.Ltmp1, $4  }
0x1a: {  	s15 =	simm.s32 @!p1 $0x2  }
0x1b: {  	s13 =	smov.u32 s10;
	p0 =	por !p0, !p0;
	_ =	swait.ge @!p1 [sflag:s15], $0x2000  }
0x1c: {  	s12 =	smov.u32 s9;
	[sflag:s15] =	ssyncset.done @!p1 $0x0;
	s9 =	smov.u32 s14  }
0x1d: {  	s11 =	sadd.s32 $0x1, s11;
	[sflag:s15] =	ssyncadd.s32 @!p1 $0xFFFFE000;
	s10 =	smov.u32 s16  }
.LBB1_1:
0x1e: {  	p1 =	sge.u32 s11, s5  }
0x1f: {  	s14 =	sand.u32 @!p1 $0x1FFFFFF, s9  }
0x20: {  	s15 =	smulhi.u32 @!p1 $0x4924925, s14;
	_ =	sdelay $0x1  }
0x21: {  	s15 =	smul.u32 @!p1 $0x38, s15  }
0x22: {  	s16 =	sxor.u32 @!p1 $0xFFFFFFFF, s11;
	s17 =	smul.u32 @!p1 $0x380, s10  }
0x23: {  	s31 =	sadd.s32 $0xFFFFFFFF, s11;
	s16 =	sshll.u32 @!p1 s16, $0xD;
	s14 =	ssub.s32 @!p1 s14, s15  }
0x24: {  	s15 =	sand.u32 @!p1 $0x2000, s16;
	s16 =	sadd.s32 @!p1 s6, s17;
	s14 =	sshll.u32 @!p1 s14, $0x4  }
0x25: {  	s17 =	simm.s32 @!p1 $0x1C00;
	s14 =	sadd.s32 @!p1 s14, s16;
	s16 =	simm.s32 @!p1 $0x40  }
0x26: {  	[tilespmem:s15], [sflag:$0x1] =	stream.strided.gather @!p1 [hbm4b:s14+s16], $0x2000, s17, s16, $0x38;
	[tilespmem:$0x8080] =	vst v63  }
0x27: {  	p1 =	sge.u32 s31, s5  }
.Ltmp2:
0x28: {  	_ = 	snop;
	(pc) =	sbr.rel @p1 .LBB1_5-.Ltmp2, $1  }
0x29: {  	_ =	sdelay $0x3  }
0x2a: {  	s14 =	simm.s32 $0x1  }
0x2b: {  	_ =	swait.ge [sflag:s4], $0x2000;
	s14 =	simm.s32 @!p0 $0x0  }
0x2c: {  	[sflag:s4] =	ssyncset.done $0x0;
	s15 =	sshll.u32 s14, $0xD  }
0x2d: {  	[sflag:s4] =	ssyncadd.s32 $0xFFFFE000;
	s18 =	sor.u32 $0x20, s15  }
0x2e: {  	s14 =	smul.u32 $0x8100, s14;
	v3 =	vld [tilespmem:s18+$0x10]  }
0x2f: {  	s30 =	sand.u32 $0x1, s11;
	v2 =	vld [tilespmem:s18+$0xFFFFFFF0]  }
0x30: {  	s15 =	smul.u32 $0x8100, s30;
	s14 =	sshrl.u32 s14, $0x2;
	v0 =	vld [tilespmem:s18+$0x0]  }
0x31: {  	v1 =	vld [tilespmem:s18+$0xFFFFFFE0];
	s16 =	sor.u32 $0x4000, s14  }
0x32: {  	s31 =	sshrl.u32 s15, $0x2;
	s15 =	sadd.s32 $0x0, s16  }
0x33: {  	s17 =	simm.s32 $0x4;
	s18 =	sadd.s32 $0x40, s18;
	s14 =	sor.u32 $0x4000, s31;
	[tilespmem:s15+$0x1830 ss:$0x81] =	vst.msk $0xffff, v3  }
.LBB1_3:
0x34: {  	v3 =	vld [tilespmem:s18+$0x10];
	p1 =	sne.s32 s17, $0x1FC;
	[tilespmem:s15+$0x810 ss:$0x81] =	vst.msk $0xffff, v2;
	s19 =	smov.u32 s17;
	s17 =	sadd.s32 $0x4, s17  }
.Ltmp3:
0x35: {  	v2 =	vld [tilespmem:s18+$0xFFFFFFF0];
	[tilespmem:s15+$0x1020 ss:$0x81] =	vst.msk $0xffff, v0;
	(pc) =	sbr.rel @p1 .LBB1_3-.Ltmp3, $4  }
0x36: {  	v0 =	vld [tilespmem:s18+$0x0];
	[tilespmem:s15+$0x0 ss:$0x81] =	vst.msk $0xffff, v1  }
0x37: {  	s15 =	sshra.s32 s19, $0x2;
	v1 =	vld [tilespmem:s18+$0xFFFFFFE0]  }
0x38: {  	s15 =	sadd.s32 s15, s16  }
0x39: {  	s18 =	sadd.s32 $0x40, s18;
	[tilespmem:s15+$0x1830 ss:$0x81] =	vst.msk $0xffff, v3  }
.Ltmp4:
0x3a: {  	_ = 	snop;
	(pc) =	sbr.rel .LBB1_4-.Ltmp4, $1  }
0x3b: {  	_ =	sdelay $0x3  }
.LBB1_6:
0x3c: {  	_ =	sfence.sel $0x180000  }
0x3d: {  	s2 =	simm.s32 $0x1;
	[bflag:$0x0] =	sbarrier.arrive $0xFFFF  }
0x3e: {  	s31 =	simm.s32 $0x2;
	[sflag:s2] =	ssyncpa.u1 $0x1  }
0x3f: {  	[sflag:s31] =	ssyncpa.u1 $0x1  }
0x40: {  	p0 =	sne.s32 s0, $0x0;
	_ =	strace $0x9000004A  }
0x41: {  	s0 =	sadd.s32 @!p0 $0x100000, s1;
	[bflag:$0x2] =	sbarrier.arrive $0xFFFF  }
0x42: {  	[sflag:s0] =	ssyncadd.tile.s32 @!p0 $0x1;
	_ =	shalt  }
.Lfunc_end1:
_tile_overlayer_lowered:
.L_overlay_start_2:
0x43: {  	(tag) =	ssettag $0x2  }
0x44: {  	s0 =	rddreg [dreg:$0x0];
	s2 =	stileid.u32  }
0x45: {  	s1 =	rddreg [dreg:$0x1];
	p0 =	sne.s32 s2, $0x0  }
0x46: {  	s3 =	rddreg [dreg:$0x2];
	[bflag:$0x3] =	sbarrier.arrive $0xFFFF;
	s2 =	simm.s32 @!p0 $0x1C01  }
0x47: {  	[timem:s3], [sflag:s2] =	dma.local @!p0 [hbm:s0], s1  }
0x48: {  	s0 =	simm.s32 @!p0 $0x1  }
0x49: {  	_ =	swait.ge @!p0 [sflag:s0], s1  }
0x4a: {  	s1 =	ssub.s32 @!p0 $0x0, s1;
	[sflag:s0] =	ssyncset.done @!p0 $0x0  }
0x4b: {  	[sflag:s0] =	ssyncadd.s32 @!p0 s1  }
0x4c: {  	[bflag:$0x3] =	sbarrier.arrive $0xFFFF  }
0x4d: {  	_ =	shalt  }

</sc_bundles>
